<compile_context>
chip_gen: v7x
topology: tpu7x:2x2x1
jax: 0.10.2.dev20260603
libtpu: 0.0.44.dev20260713+nightly
codegen_flags: <defaults>
</compile_context>

<pallas_src>
import functools

import jax
import jax.numpy as jnp
from jax import lax
from jax.experimental import pallas as pl
from jax.experimental.pallas import tpu as pltpu
from jax.experimental.pallas import tpu_sc as plsc

B = 16384
L = 50
D = 32
LP = 64
NC = 2
NS = 16
NW = NC * NS
ROWS_W = B // NW
TOK_W = ROWS_W * L
CHUNK = 16
NCHUNK = ROWS_W // CHUNK
TOK_CHUNK = CHUNK * L
FULL_GATHERS = TOK_CHUNK // 128
TAIL = TOK_CHUNK - FULL_GATHERS * 128
IDXP_ROWS_W = ROWS_W * LP // 128


@functools.partial(
    pl.kernel,
    out_type=jax.ShapeDtypeStruct((B, D), jnp.float32),
    mesh=plsc.VectorSubcoreMesh(core_axis_name="c", subcore_axis_name="s"),
    compiler_params=pltpu.CompilerParams(
        use_tc_tiling_on_sc=False, needs_layout_passes=False),
    scratch_types=[
        pltpu.VMEM((TOK_W,), jnp.int32),
        pltpu.VMEM((IDXP_ROWS_W, 128), jnp.int32),
        pltpu.VMEM((2, TOK_CHUNK, D), jnp.float32),
        pltpu.VMEM((ROWS_W, D), jnp.float32),
        pltpu.VMEM((1, D), jnp.float32),
        pltpu.SemaphoreType.DMA,
        pltpu.SemaphoreType.DMA,
    ],
)
def _sc_embed_mean(idx_hbm, idxp_hbm, table_hbm, out_hbm,
                   idx_v, idxp_v, rows_v, out_v, t0_v, sem0, sem1):
    wid = lax.axis_index("s") * NC + lax.axis_index("c")
    pltpu.sync_copy(idx_hbm.at[pl.ds(wid * TOK_W, TOK_W)], idx_v)
    pltpu.sync_copy(idxp_hbm.at[pl.ds(wid * IDXP_ROWS_W, IDXP_ROWS_W)], idxp_v)
    pltpu.sync_copy(table_hbm.at[pl.ds(0, 1)], t0_v)
    t0a = t0_v[0, pl.ds(0, 16)]
    t0b = t0_v[0, pl.ds(16, 16)]
    sems = (sem0, sem1)

    def chunk_copies(c, buf):
        base = c * TOK_CHUNK
        copies = []
        for j in range(FULL_GATHERS):
            copies.append(pltpu.make_async_copy(
                table_hbm.at[idx_v.at[pl.ds(base + j * 128, 128)]],
                rows_v.at[buf, pl.ds(j * 128, 128)],
                sems[buf]))
        copies.append(pltpu.make_async_copy(
            table_hbm.at[idx_v.at[pl.ds(base + FULL_GATHERS * 128, TAIL)]],
            rows_v.at[buf, pl.ds(FULL_GATHERS * 128, TAIL)],
            sems[buf]))
        return copies

    def start_chunk(c, buf):
        for cp in chunk_copies(c, buf):
            cp.start()

    def wait_chunk(c, buf):
        for cp in chunk_copies(c, buf):
            cp.wait()

    def compute_chunk(c, buf):
        def row_body(r, carry):
            ir = c * (LP * CHUNK // 128) + lax.div(r, 2)
            colb = lax.rem(r, 2) * LP
            vcnt_i = jnp.zeros((16,), jnp.int32)
            for jj in range(LP // 16):
                s = idxp_v[ir, pl.ds(colb + jj * 16, 16)]
                vcnt_i = vcnt_i + jnp.minimum(s, 1)
            valid = jnp.broadcast_to(jnp.sum(vcnt_i.astype(jnp.float32)), (16,))
            n0 = jnp.float32(L) - valid

            base = r * L

            def k_body(k, accs):
                t = base + k * 2
                a0, b0, a1, b1 = accs
                ea = rows_v[buf, t, pl.ds(0, 16)]
                eb = rows_v[buf, t, pl.ds(16, 16)]
                fa = rows_v[buf, t + 1, pl.ds(0, 16)]
                fb = rows_v[buf, t + 1, pl.ds(16, 16)]
                return (a0 + ea, b0 + eb, a1 + fa, b1 + fb)

            zero = jnp.zeros((16,), jnp.float32)
            a0, b0, a1, b1 = lax.fori_loop(0, L // 2, k_body, (zero,) * 4)
            suma = a0 + a1
            sumb = b0 + b1

            inv = 1.0 / jnp.maximum(valid, 1.0)
            orow = c * CHUNK + r
            out_v[orow, pl.ds(0, 16)] = (suma - n0 * t0a) * inv
            out_v[orow, pl.ds(16, 16)] = (sumb - n0 * t0b) * inv
            return carry

        lax.fori_loop(0, CHUNK, row_body, 0)

    start_chunk(0, 0)

    def pair_body(g, carry):
        for b2 in range(2):
            cdyn = g * 2 + b2

            @pl.when(cdyn + 1 < NCHUNK)
            def _start_next():
                start_chunk(cdyn + 1, b2 ^ 1)

            wait_chunk(cdyn, b2)
            compute_chunk(cdyn, b2)
        return carry

    lax.fori_loop(0, NCHUNK // 2, pair_body, 0)
    pltpu.sync_copy(out_v, out_hbm.at[pl.ds(wid * ROWS_W, ROWS_W)])


@jax.jit
def kernel(indices, table):
    idx = indices.astype(jnp.int32)
    idx_flat = idx.reshape(B * L)
    idx_pad = jnp.pad(idx, ((0, 0), (0, LP - L))).reshape(B * LP // 128, 128)
    return _sc_embed_mean(idx_flat, idx_pad, table)

# --- scband reference (transcript-rebuilt; emitter-appended) ---
"""Pipeline reference for scband-text-feature-embedding-36524401885899 (READ-ONLY COPY).

The authoritative reference and input builder live on the scoring server;
editing this copy changes nothing except your own understanding.
"""

import jax, jax.numpy as jnp
import numpy as np

BATCH = 16384
SEQ_LEN = 50
MAX_TOKENS = 1000000
EMBED_DIM = 32

def setup_inputs(seed: int = 0) -> dict:
    key = jax.random.key(seed)
    k_idx, k_tab = jax.random.split(key)
    # Token ids as produced by TextVectorization (0 is the mask/padding token)
    indices = jax.random.randint(k_idx, (BATCH, SEQ_LEN), 0, MAX_TOKENS, dtype=jnp.int32).astype(jnp.int64)
    # Embedding table (tf.keras.layers.Embedding weights)
    table = jax.random.normal(k_tab, (MAX_TOKENS, EMBED_DIM), dtype=jnp.float32) * 0.05
    return {"indices": indices, "table": table}

def reference(indices, table):
    # TextVectorization output is already modeled as integer token ids `indices`.
    # Embedding with mask_zero=True: token id 0 is masked.
    emb = jnp.take(table, indices, axis=0)  # [B, L, D] gather
    mask = (indices != 0).astype(emb.dtype)  # [B, L]
    # GlobalAveragePooling1D with mask: sum over valid tokens / count of valid tokens
    summed = jnp.sum(emb * mask[:, :, None], axis=1)  # [B, D]
    count = jnp.sum(mask, axis=1, keepdims=True)  # [B, 1]
    count = jnp.maximum(count, 1.0)  # guard against all-masked rows
    return summed / count

if __name__ == "__main__":
    import jax
    _d = setup_inputs()
    print(jax.jit(kernel)(*tuple(_d.values())))

</pallas_src>

<mosaic_0001>
#map = affine_map<(d0, d1) -> (0)>
#map1 = affine_map<(d0, d1) -> (0, 0)>
module attributes {stable_mosaic.version = 14 : i64} {
  func.func @_sc_embed_mean(%arg0: i32, %arg1: i32, %arg2: memref<819200xi32, #tpu.memory_space<hbm>>, %arg3: memref<8192x128xi32, #tpu.memory_space<hbm>>, %arg4: memref<1000000x32xf32, #tpu.memory_space<hbm>>, %arg5: memref<16384x32xf32, #tpu.memory_space<hbm>>, %arg6: memref<25600xi32, #tpu.memory_space<vmem>>, %arg7: memref<256x128xi32, #tpu.memory_space<vmem>>, %arg8: memref<2x800x32xf32, #tpu.memory_space<vmem>>, %arg9: memref<512x32xf32, #tpu.memory_space<vmem>>, %arg10: memref<1x32xf32, #tpu.memory_space<vmem>>, %arg11: memref<!tpu.dma_semaphore, #tpu.memory_space<semaphore_mem>>, %arg12: memref<!tpu.dma_semaphore, #tpu.memory_space<semaphore_mem>>) attributes {dimension_semantics = [#tpu.dimension_semantics<core_parallel>, #tpu.dimension_semantics<subcore_parallel>], iteration_bounds = array<i64: 2, 16>, scalar_prefetch = 0 : i64, scratch_operands = 7 : i64, tpu.core_type = #tpu.core_type<sc_vector_subcore>, window_params = [{transform_indices = #map}, {transform_indices = #map1}, {transform_indices = #map1}, {transform_indices = #map1}]} {
    %mul3A = arith.constant 2 : i32
    %mul3A_0 = arith.muli %arg1, %mul3A : i32
    %add3A = arith.addi %mul3A_0, %arg0 : i32
    %mul3A_1 = arith.constant 25600 : i32
    %mul3A_2 = arith.muli %add3A, %mul3A_1 : i32
    "tpu.region"() ({
      %run_scoped3A = tpu.sem_alloc : memref<!tpu.dma_semaphore, #tpu.memory_space<semaphore_mem>>
      %dma_start3A_88 = tpu.memref_slice %arg2[%mul3A_2] : memref<819200xi32, #tpu.memory_space<hbm>> -> memref<25600xi32, #tpu.memory_space<hbm>>
      %dma_start3A_89 = tpu.memref_slice %arg2[%mul3A_2] : memref<819200xi32, #tpu.memory_space<hbm>> -> memref<25600xi32, #tpu.memory_space<hbm>>
      tpu.enqueue_dma source(%dma_start3A_89 : memref<25600xi32, #tpu.memory_space<hbm>>) target(%arg6 : memref<25600xi32, #tpu.memory_space<vmem>>) target_semaphore(%run_scoped3A : memref<!tpu.dma_semaphore, #tpu.memory_space<semaphore_mem>>)
      %dma_wait3A = tpu.memref_slice %arg2[%mul3A_2] : memref<819200xi32, #tpu.memory_space<hbm>> -> memref<25600xi32, #tpu.memory_space<hbm>>
      %dma_wait3A_90 = tpu.memref_slice %arg2[%mul3A_2] : memref<819200xi32, #tpu.memory_space<hbm>> -> memref<25600xi32, #tpu.memory_space<hbm>>
      tpu.wait_dma2 semaphore(%run_scoped3A : memref<!tpu.dma_semaphore, #tpu.memory_space<semaphore_mem>>) src(%dma_wait3A_90 : memref<25600xi32, #tpu.memory_space<hbm>>) dst(%arg6 : memref<25600xi32, #tpu.memory_space<vmem>>)
      tpu.yield
    }) : () -> ()
    %mul3A_3 = arith.constant 256 : i32
    %mul3A_4 = arith.muli %add3A, %mul3A_3 : i32
    "tpu.region"() ({
      %run_scoped3A = tpu.sem_alloc : memref<!tpu.dma_semaphore, #tpu.memory_space<semaphore_mem>>
      %dma_start3A_88 = arith.constant 0 : i32
      %dma_start3A_89 = tpu.memref_slice %arg3[%mul3A_4, %dma_start3A_88] : memref<8192x128xi32, #tpu.memory_space<hbm>> -> memref<256x128xi32, #tpu.memory_space<hbm>>
      %dma_start3A_90 = arith.constant 0 : i32
      %dma_start3A_91 = tpu.memref_slice %arg3[%mul3A_4, %dma_start3A_90] : memref<8192x128xi32, #tpu.memory_space<hbm>> -> memref<256x128xi32, #tpu.memory_space<hbm>>
      tpu.enqueue_dma source(%dma_start3A_91 : memref<256x128xi32, #tpu.memory_space<hbm>>) target(%arg7 : memref<256x128xi32, #tpu.memory_space<vmem>>) target_semaphore(%run_scoped3A : memref<!tpu.dma_semaphore, #tpu.memory_space<semaphore_mem>>)
      %dma_wait3A = arith.constant 0 : i32
      %dma_wait3A_92 = tpu.memref_slice %arg3[%mul3A_4, %dma_wait3A] : memref<8192x128xi32, #tpu.memory_space<hbm>> -> memref<256x128xi32, #tpu.memory_space<hbm>>
      %dma_wait3A_93 = arith.constant 0 : i32
      %dma_wait3A_94 = tpu.memref_slice %arg3[%mul3A_4, %dma_wait3A_93] : memref<8192x128xi32, #tpu.memory_space<hbm>> -> memref<256x128xi32, #tpu.memory_space<hbm>>
      tpu.wait_dma2 semaphore(%run_scoped3A : memref<!tpu.dma_semaphore, #tpu.memory_space<semaphore_mem>>) src(%dma_wait3A_94 : memref<256x128xi32, #tpu.memory_space<hbm>>) dst(%arg7 : memref<256x128xi32, #tpu.memory_space<vmem>>)
      tpu.yield
    }) : () -> ()
    "tpu.region"() ({
      %run_scoped3A = tpu.sem_alloc : memref<!tpu.dma_semaphore, #tpu.memory_space<semaphore_mem>>
      %dma_start3A_88 = arith.constant 0 : i32
      %dma_start3A_89 = arith.constant 0 : i32
      %dma_start3A_90 = tpu.memref_slice %arg4[%dma_start3A_88, %dma_start3A_89] : memref<1000000x32xf32, #tpu.memory_space<hbm>> -> memref<1x32xf32, #tpu.memory_space<hbm>>
      %dma_start3A_91 = arith.constant 0 : i32
      %dma_start3A_92 = arith.constant 0 : i32
      %dma_start3A_93 = tpu.memref_slice %arg4[%dma_start3A_91, %dma_start3A_92] : memref<1000000x32xf32, #tpu.memory_space<hbm>> -> memref<1x32xf32, #tpu.memory_space<hbm>>
      tpu.enqueue_dma source(%dma_start3A_93 : memref<1x32xf32, #tpu.memory_space<hbm>>) target(%arg10 : memref<1x32xf32, #tpu.memory_space<vmem>>) target_semaphore(%run_scoped3A : memref<!tpu.dma_semaphore, #tpu.memory_space<semaphore_mem>>)
      %dma_wait3A = arith.constant 0 : i32
      %dma_wait3A_94 = arith.constant 0 : i32
      %dma_wait3A_95 = tpu.memref_slice %arg4[%dma_wait3A, %dma_wait3A_94] : memref<1000000x32xf32, #tpu.memory_space<hbm>> -> memref<1x32xf32, #tpu.memory_space<hbm>>
      %dma_wait3A_96 = arith.constant 0 : i32
      %dma_wait3A_97 = arith.constant 0 : i32
      %dma_wait3A_98 = tpu.memref_slice %arg4[%dma_wait3A_96, %dma_wait3A_97] : memref<1000000x32xf32, #tpu.memory_space<hbm>> -> memref<1x32xf32, #tpu.memory_space<hbm>>
      tpu.wait_dma2 semaphore(%run_scoped3A : memref<!tpu.dma_semaphore, #tpu.memory_space<semaphore_mem>>) src(%dma_wait3A_98 : memref<1x32xf32, #tpu.memory_space<hbm>>) dst(%arg10 : memref<1x32xf32, #tpu.memory_space<vmem>>)
      tpu.yield
    }) : () -> ()
    %get3A = arith.constant 0 : i32
    %get3A_5 = arith.index_cast %get3A : i32 to index
    %get3A_6 = arith.constant 0 : index
    %get3A_7 = tpu.vector_load %arg10[%get3A_5, %get3A_6] {strides = array<i32>} : memref<1x32xf32, #tpu.memory_space<vmem>>, vector<16xf32>,
    %get3A_8 = arith.constant 0 : i32
    %get3A_9 = arith.index_cast %get3A_8 : i32 to index
    %get3A_10 = arith.constant 16 : index
    %get3A_11 = tpu.vector_load %arg10[%get3A_9, %get3A_10] {strides = array<i32>} : memref<1x32xf32, #tpu.memory_space<vmem>>, vector<16xf32>,
    %dma_start3A = arith.constant 0 : i32
    %dma_start3A_12 = arith.constant 0 : i32
    %dma_start3A_13 = arith.constant 0 : i32
    %dma_start3A_14 = tpu.memref_slice %arg8[%dma_start3A, %dma_start3A_12, %dma_start3A_13] : memref<2x800x32xf32, #tpu.memory_space<vmem>> -> memref<1x128x32xf32, #tpu.memory_space<vmem>>
    %dma_start3A_15 = tpu.memref_squeeze %dma_start3A_14 : memref<1x128x32xf32, #tpu.memory_space<vmem>> -> memref<128x32xf32, #tpu.memory_space<vmem>>
    %dma_start3A_16 = arith.constant 0 : i32
    %dma_start3A_17 = tpu.memref_slice %arg6[%dma_start3A_16] : memref<25600xi32, #tpu.memory_space<vmem>> -> memref<128xi32, #tpu.memory_space<vmem>>
    %dma_start3A_18 = arith.constant 0 : i32
    %dma_start3A_19 = arith.constant 0 : i32
    %dma_start3A_20 = tpu.memref_slice %arg4[%dma_start3A_18, %dma_start3A_19] : memref<1000000x32xf32, #tpu.memory_space<hbm>> -> memref<1000000x32xf32, #tpu.memory_space<hbm>>
    tpu.enqueue_indirect_dma source(%dma_start3A_20 : memref<1000000x32xf32, #tpu.memory_space<hbm>>) target(%dma_start3A_15 : memref<128x32xf32, #tpu.memory_space<vmem>>) offsets(%dma_start3A_17 : memref<128xi32, #tpu.memory_space<vmem>>) semaphore(%arg11 : memref<!tpu.dma_semaphore, #tpu.memory_space<semaphore_mem>>)
    %dma_start3A_21 = arith.constant 0 : i32
    %dma_start3A_22 = arith.constant 128 : i32
    %dma_start3A_23 = arith.constant 0 : i32
    %dma_start3A_24 = tpu.memref_slice %arg8[%dma_start3A_21, %dma_start3A_22, %dma_start3A_23] : memref<2x800x32xf32, #tpu.memory_space<vmem>> -> memref<1x128x32xf32, #tpu.memory_space<vmem>>
    %dma_start3A_25 = tpu.memref_squeeze %dma_start3A_24 : memref<1x128x32xf32, #tpu.memory_space<vmem>> -> memref<128x32xf32, #tpu.memory_space<vmem>>
    %dma_start3A_26 = arith.constant 128 : i32
    %dma_start3A_27 = tpu.memref_slice %arg6[%dma_start3A_26] : memref<25600xi32, #tpu.memory_space<vmem>> -> memref<128xi32, #tpu.memory_space<vmem>>
    %dma_start3A_28 = arith.constant 0 : i32
    %dma_start3A_29 = arith.constant 0 : i32
    %dma_start3A_30 = tpu.memref_slice %arg4[%dma_start3A_28, %dma_start3A_29] : memref<1000000x32xf32, #tpu.memory_space<hbm>> -> memref<1000000x32xf32, #tpu.memory_space<hbm>>
    tpu.enqueue_indirect_dma source(%dma_start3A_30 : memref<1000000x32xf32, #tpu.memory_space<hbm>>) target(%dma_start3A_25 : memref<128x32xf32, #tpu.memory_space<vmem>>) offsets(%dma_start3A_27 : memref<128xi32, #tpu.memory_space<vmem>>) semaphore(%arg11 : memref<!tpu.dma_semaphore, #tpu.memory_space<semaphore_mem>>)
    %dma_start3A_31 = arith.constant 0 : i32
    %dma_start3A_32 = arith.constant 256 : i32
    %dma_start3A_33 = arith.constant 0 : i32
    %dma_start3A_34 = tpu.memref_slice %arg8[%dma_start3A_31, %dma_start3A_32, %dma_start3A_33] : memref<2x800x32xf32, #tpu.memory_space<vmem>> -> memref<1x128x32xf32, #tpu.memory_space<vmem>>
    %dma_start3A_35 = tpu.memref_squeeze %dma_start3A_34 : memref<1x128x32xf32, #tpu.memory_space<vmem>> -> memref<128x32xf32, #tpu.memory_space<vmem>>
    %dma_start3A_36 = arith.constant 256 : i32
    %dma_start3A_37 = tpu.memref_slice %arg6[%dma_start3A_36] : memref<25600xi32, #tpu.memory_space<vmem>> -> memref<128xi32, #tpu.memory_space<vmem>>
    %dma_start3A_38 = arith.constant 0 : i32
    %dma_start3A_39 = arith.constant 0 : i32
    %dma_start3A_40 = tpu.memref_slice %arg4[%dma_start3A_38, %dma_start3A_39] : memref<1000000x32xf32, #tpu.memory_space<hbm>> -> memref<1000000x32xf32, #tpu.memory_space<hbm>>
    tpu.enqueue_indirect_dma source(%dma_start3A_40 : memref<1000000x32xf32, #tpu.memory_space<hbm>>) target(%dma_start3A_35 : memref<128x32xf32, #tpu.memory_space<vmem>>) offsets(%dma_start3A_37 : memref<128xi32, #tpu.memory_space<vmem>>) semaphore(%arg11 : memref<!tpu.dma_semaphore, #tpu.memory_space<semaphore_mem>>)
    %dma_start3A_41 = arith.constant 0 : i32
    %dma_start3A_42 = arith.constant 384 : i32
    %dma_start3A_43 = arith.constant 0 : i32
    %dma_start3A_44 = tpu.memref_slice %arg8[%dma_start3A_41, %dma_start3A_42, %dma_start3A_43] : memref<2x800x32xf32, #tpu.memory_space<vmem>> -> memref<1x128x32xf32, #tpu.memory_space<vmem>>
    %dma_start3A_45 = tpu.memref_squeeze %dma_start3A_44 : memref<1x128x32xf32, #tpu.memory_space<vmem>> -> memref<128x32xf32, #tpu.memory_space<vmem>>
    %dma_start3A_46 = arith.constant 384 : i32
    %dma_start3A_47 = tpu.memref_slice %arg6[%dma_start3A_46] : memref<25600xi32, #tpu.memory_space<vmem>> -> memref<128xi32, #tpu.memory_space<vmem>>
    %dma_start3A_48 = arith.constant 0 : i32
    %dma_start3A_49 = arith.constant 0 : i32
    %dma_start3A_50 = tpu.memref_slice %arg4[%dma_start3A_48, %dma_start3A_49] : memref<1000000x32xf32, #tpu.memory_space<hbm>> -> memref<1000000x32xf32, #tpu.memory_space<hbm>>
    tpu.enqueue_indirect_dma source(%dma_start3A_50 : memref<1000000x32xf32, #tpu.memory_space<hbm>>) target(%dma_start3A_45 : memref<128x32xf32, #tpu.memory_space<vmem>>) offsets(%dma_start3A_47 : memref<128xi32, #tpu.memory_space<vmem>>) semaphore(%arg11 : memref<!tpu.dma_semaphore, #tpu.memory_space<semaphore_mem>>)
    %dma_start3A_51 = arith.constant 0 : i32
    %dma_start3A_52 = arith.constant 512 : i32
    %dma_start3A_53 = arith.constant 0 : i32
    %dma_start3A_54 = tpu.memref_slice %arg8[%dma_start3A_51, %dma_start3A_52, %dma_start3A_53] : memref<2x800x32xf32, #tpu.memory_space<vmem>> -> memref<1x128x32xf32, #tpu.memory_space<vmem>>
    %dma_start3A_55 = tpu.memref_squeeze %dma_start3A_54 : memref<1x128x32xf32, #tpu.memory_space<vmem>> -> memref<128x32xf32, #tpu.memory_space<vmem>>
    %dma_start3A_56 = arith.constant 512 : i32
    %dma_start3A_57 = tpu.memref_slice %arg6[%dma_start3A_56] : memref<25600xi32, #tpu.memory_space<vmem>> -> memref<128xi32, #tpu.memory_space<vmem>>
    %dma_start3A_58 = arith.constant 0 : i32
    %dma_start3A_59 = arith.constant 0 : i32
    %dma_start3A_60 = tpu.memref_slice %arg4[%dma_start3A_58, %dma_start3A_59] : memref<1000000x32xf32, #tpu.memory_space<hbm>> -> memref<1000000x32xf32, #tpu.memory_space<hbm>>
    tpu.enqueue_indirect_dma source(%dma_start3A_60 : memref<1000000x32xf32, #tpu.memory_space<hbm>>) target(%dma_start3A_55 : memref<128x32xf32, #tpu.memory_space<vmem>>) offsets(%dma_start3A_57 : memref<128xi32, #tpu.memory_space<vmem>>) semaphore(%arg11 : memref<!tpu.dma_semaphore, #tpu.memory_space<semaphore_mem>>)
    %dma_start3A_61 = arith.constant 0 : i32
    %dma_start3A_62 = arith.constant 640 : i32
    %dma_start3A_63 = arith.constant 0 : i32
    %dma_start3A_64 = tpu.memref_slice %arg8[%dma_start3A_61, %dma_start3A_62, %dma_start3A_63] : memref<2x800x32xf32, #tpu.memory_space<vmem>> -> memref<1x128x32xf32, #tpu.memory_space<vmem>>
    %dma_start3A_65 = tpu.memref_squeeze %dma_start3A_64 : memref<1x128x32xf32, #tpu.memory_space<vmem>> -> memref<128x32xf32, #tpu.memory_space<vmem>>
    %dma_start3A_66 = arith.constant 640 : i32
    %dma_start3A_67 = tpu.memref_slice %arg6[%dma_start3A_66] : memref<25600xi32, #tpu.memory_space<vmem>> -> memref<128xi32, #tpu.memory_space<vmem>>
    %dma_start3A_68 = arith.constant 0 : i32
    %dma_start3A_69 = arith.constant 0 : i32
    %dma_start3A_70 = tpu.memref_slice %arg4[%dma_start3A_68, %dma_start3A_69] : memref<1000000x32xf32, #tpu.memory_space<hbm>> -> memref<1000000x32xf32, #tpu.memory_space<hbm>>
    tpu.enqueue_indirect_dma source(%dma_start3A_70 : memref<1000000x32xf32, #tpu.memory_space<hbm>>) target(%dma_start3A_65 : memref<128x32xf32, #tpu.memory_space<vmem>>) offsets(%dma_start3A_67 : memref<128xi32, #tpu.memory_space<vmem>>) semaphore(%arg11 : memref<!tpu.dma_semaphore, #tpu.memory_space<semaphore_mem>>)
    %dma_start3A_71 = arith.constant 0 : i32
    %dma_start3A_72 = arith.constant 768 : i32
    %dma_start3A_73 = arith.constant 0 : i32
    %dma_start3A_74 = tpu.memref_slice %arg8[%dma_start3A_71, %dma_start3A_72, %dma_start3A_73] : memref<2x800x32xf32, #tpu.memory_space<vmem>> -> memref<1x32x32xf32, #tpu.memory_space<vmem>>
    %dma_start3A_75 = tpu.memref_squeeze %dma_start3A_74 : memref<1x32x32xf32, #tpu.memory_space<vmem>> -> memref<32x32xf32, #tpu.memory_space<vmem>>
    %dma_start3A_76 = arith.constant 768 : i32
    %dma_start3A_77 = tpu.memref_slice %arg6[%dma_start3A_76] : memref<25600xi32, #tpu.memory_space<vmem>> -> memref<32xi32, #tpu.memory_space<vmem>>
    %dma_start3A_78 = arith.constant 0 : i32
    %dma_start3A_79 = arith.constant 0 : i32
    %dma_start3A_80 = tpu.memref_slice %arg4[%dma_start3A_78, %dma_start3A_79] : memref<1000000x32xf32, #tpu.memory_space<hbm>> -> memref<1000000x32xf32, #tpu.memory_space<hbm>>
    tpu.enqueue_indirect_dma source(%dma_start3A_80 : memref<1000000x32xf32, #tpu.memory_space<hbm>>) target(%dma_start3A_75 : memref<32x32xf32, #tpu.memory_space<vmem>>) offsets(%dma_start3A_77 : memref<32xi32, #tpu.memory_space<vmem>>) semaphore(%arg11 : memref<!tpu.dma_semaphore, #tpu.memory_space<semaphore_mem>>)
    %scan3A = arith.constant 0 : i32
    %scan3A_81 = arith.constant 0 : i32
    %scan3A_82 = arith.constant 16 : i32
    %scan3A_83 = arith.addi %scan3A_81, %scan3A_82 : i32
    %scan3A_84 = arith.constant 1 : i32
    scf.for %scan3A_88 = %scan3A_81 to %scan3A_83 step %scan3A_84  : i32 {
      %mul3A_89 = arith.constant 2 : i32
      %mul3A_90 = arith.muli %scan3A_88, %mul3A_89 : i32
      %add3A_91 = arith.constant 0 : i32
      %add3A_92 = arith.addi %mul3A_90, %add3A_91 : i32
      %add3A_93 = arith.constant 1 : i32
      %add3A_94 = arith.addi %add3A_92, %add3A_93 : i32
      %lt3A = arith.constant 32 : i32
      %lt3A_95 = arith.cmpi slt, %add3A_94, %lt3A : i32
      %convert_element_type3A = arith.extui %lt3A_95 : i1 to i32
      %cond3A = arith.constant 0 : i32
      %cond3A_96 = arith.cmpi ne, %convert_element_type3A, %cond3A : i32
      scf.if %cond3A_96 {
        %add3A_277 = arith.constant 1 : i32
        %add3A_278 = arith.addi %add3A_92, %add3A_277 : i32
        %mul3A_279 = arith.constant 800 : i32
        %mul3A_280 = arith.muli %add3A_278, %mul3A_279 : i32
        %add3A_281 = arith.constant 0 : i32
        %add3A_282 = arith.addi %mul3A_280, %add3A_281 : i32
        %add3A_283 = arith.constant 128 : i32
        %add3A_284 = arith.addi %mul3A_280, %add3A_283 : i32
        %add3A_285 = arith.constant 256 : i32
        %add3A_286 = arith.addi %mul3A_280, %add3A_285 : i32
        %add3A_287 = arith.constant 384 : i32
        %add3A_288 = arith.addi %mul3A_280, %add3A_287 : i32
        %add3A_289 = arith.constant 512 : i32
        %add3A_290 = arith.addi %mul3A_280, %add3A_289 : i32
        %add3A_291 = arith.constant 640 : i32
        %add3A_292 = arith.addi %mul3A_280, %add3A_291 : i32
        %add3A_293 = arith.constant 768 : i32
        %add3A_294 = arith.addi %mul3A_280, %add3A_293 : i32
        %dma_start3A_295 = arith.constant 1 : i32
        %dma_start3A_296 = arith.constant 0 : i32
        %dma_start3A_297 = arith.constant 0 : i32
        %dma_start3A_298 = tpu.memref_slice %arg8[%dma_start3A_295, %dma_start3A_296, %dma_start3A_297] : memref<2x800x32xf32, #tpu.memory_space<vmem>> -> memref<1x128x32xf32, #tpu.memory_space<vmem>>
        %dma_start3A_299 = tpu.memref_squeeze %dma_start3A_298 : memref<1x128x32xf32, #tpu.memory_space<vmem>> -> memref<128x32xf32, #tpu.memory_space<vmem>>
        %dma_start3A_300 = tpu.memref_slice %arg6[%add3A_282] : memref<25600xi32, #tpu.memory_space<vmem>> -> memref<128xi32, #tpu.memory_space<vmem>>
        %dma_start3A_301 = arith.constant 0 : i32
        %dma_start3A_302 = arith.constant 0 : i32
        %dma_start3A_303 = tpu.memref_slice %arg4[%dma_start3A_301, %dma_start3A_302] : memref<1000000x32xf32, #tpu.memory_space<hbm>> -> memref<1000000x32xf32, #tpu.memory_space<hbm>>
        tpu.enqueue_indirect_dma source(%dma_start3A_303 : memref<1000000x32xf32, #tpu.memory_space<hbm>>) target(%dma_start3A_299 : memref<128x32xf32, #tpu.memory_space<vmem>>) offsets(%dma_start3A_300 : memref<128xi32, #tpu.memory_space<vmem>>) semaphore(%arg12 : memref<!tpu.dma_semaphore, #tpu.memory_space<semaphore_mem>>)
        %dma_start3A_304 = arith.constant 1 : i32
        %dma_start3A_305 = arith.constant 128 : i32
        %dma_start3A_306 = arith.constant 0 : i32
        %dma_start3A_307 = tpu.memref_slice %arg8[%dma_start3A_304, %dma_start3A_305, %dma_start3A_306] : memref<2x800x32xf32, #tpu.memory_space<vmem>> -> memref<1x128x32xf32, #tpu.memory_space<vmem>>
        %dma_start3A_308 = tpu.memref_squeeze %dma_start3A_307 : memref<1x128x32xf32, #tpu.memory_space<vmem>> -> memref<128x32xf32, #tpu.memory_space<vmem>>
        %dma_start3A_309 = tpu.memref_slice %arg6[%add3A_284] : memref<25600xi32, #tpu.memory_space<vmem>> -> memref<128xi32, #tpu.memory_space<vmem>>
        %dma_start3A_310 = arith.constant 0 : i32
        %dma_start3A_311 = arith.constant 0 : i32
        %dma_start3A_312 = tpu.memref_slice %arg4[%dma_start3A_310, %dma_start3A_311] : memref<1000000x32xf32, #tpu.memory_space<hbm>> -> memref<1000000x32xf32, #tpu.memory_space<hbm>>
        tpu.enqueue_indirect_dma source(%dma_start3A_312 : memref<1000000x32xf32, #tpu.memory_space<hbm>>) target(%dma_start3A_308 : memref<128x32xf32, #tpu.memory_space<vmem>>) offsets(%dma_start3A_309 : memref<128xi32, #tpu.memory_space<vmem>>) semaphore(%arg12 : memref<!tpu.dma_semaphore, #tpu.memory_space<semaphore_mem>>)
        %dma_start3A_313 = arith.constant 1 : i32
        %dma_start3A_314 = arith.constant 256 : i32
        %dma_start3A_315 = arith.constant 0 : i32
        %dma_start3A_316 = tpu.memref_slice %arg8[%dma_start3A_313, %dma_start3A_314, %dma_start3A_315] : memref<2x800x32xf32, #tpu.memory_space<vmem>> -> memref<1x128x32xf32, #tpu.memory_space<vmem>>
        %dma_start3A_317 = tpu.memref_squeeze %dma_start3A_316 : memref<1x128x32xf32, #tpu.memory_space<vmem>> -> memref<128x32xf32, #tpu.memory_space<vmem>>
        %dma_start3A_318 = tpu.memref_slice %arg6[%add3A_286] : memref<25600xi32, #tpu.memory_space<vmem>> -> memref<128xi32, #tpu.memory_space<vmem>>
        %dma_start3A_319 = arith.constant 0 : i32
        %dma_start3A_320 = arith.constant 0 : i32
        %dma_start3A_321 = tpu.memref_slice %arg4[%dma_start3A_319, %dma_start3A_320] : memref<1000000x32xf32, #tpu.memory_space<hbm>> -> memref<1000000x32xf32, #tpu.memory_space<hbm>>
        tpu.enqueue_indirect_dma source(%dma_start3A_321 : memref<1000000x32xf32, #tpu.memory_space<hbm>>) target(%dma_start3A_317 : memref<128x32xf32, #tpu.memory_space<vmem>>) offsets(%dma_start3A_318 : memref<128xi32, #tpu.memory_space<vmem>>) semaphore(%arg12 : memref<!tpu.dma_semaphore, #tpu.memory_space<semaphore_mem>>)
        %dma_start3A_322 = arith.constant 1 : i32
        %dma_start3A_323 = arith.constant 384 : i32
        %dma_start3A_324 = arith.constant 0 : i32
        %dma_start3A_325 = tpu.memref_slice %arg8[%dma_start3A_322, %dma_start3A_323, %dma_start3A_324] : memref<2x800x32xf32, #tpu.memory_space<vmem>> -> memref<1x128x32xf32, #tpu.memory_space<vmem>>
        %dma_start3A_326 = tpu.memref_squeeze %dma_start3A_325 : memref<1x128x32xf32, #tpu.memory_space<vmem>> -> memref<128x32xf32, #tpu.memory_space<vmem>>
        %dma_start3A_327 = tpu.memref_slice %arg6[%add3A_288] : memref<25600xi32, #tpu.memory_space<vmem>> -> memref<128xi32, #tpu.memory_space<vmem>>
        %dma_start3A_328 = arith.constant 0 : i32
        %dma_start3A_329 = arith.constant 0 : i32
        %dma_start3A_330 = tpu.memref_slice %arg4[%dma_start3A_328, %dma_start3A_329] : memref<1000000x32xf32, #tpu.memory_space<hbm>> -> memref<1000000x32xf32, #tpu.memory_space<hbm>>
        tpu.enqueue_indirect_dma source(%dma_start3A_330 : memref<1000000x32xf32, #tpu.memory_space<hbm>>) target(%dma_start3A_326 : memref<128x32xf32, #tpu.memory_space<vmem>>) offsets(%dma_start3A_327 : memref<128xi32, #tpu.memory_space<vmem>>) semaphore(%arg12 : memref<!tpu.dma_semaphore, #tpu.memory_space<semaphore_mem>>)
        %dma_start3A_331 = arith.constant 1 : i32
        %dma_start3A_332 = arith.constant 512 : i32
        %dma_start3A_333 = arith.constant 0 : i32
        %dma_start3A_334 = tpu.memref_slice %arg8[%dma_start3A_331, %dma_start3A_332, %dma_start3A_333] : memref<2x800x32xf32, #tpu.memory_space<vmem>> -> memref<1x128x32xf32, #tpu.memory_space<vmem>>
        %dma_start3A_335 = tpu.memref_squeeze %dma_start3A_334 : memref<1x128x32xf32, #tpu.memory_space<vmem>> -> memref<128x32xf32, #tpu.memory_space<vmem>>
        %dma_start3A_336 = tpu.memref_slice %arg6[%add3A_290] : memref<25600xi32, #tpu.memory_space<vmem>> -> memref<128xi32, #tpu.memory_space<vmem>>
        %dma_start3A_337 = arith.constant 0 : i32
        %dma_start3A_338 = arith.constant 0 : i32
        %dma_start3A_339 = tpu.memref_slice %arg4[%dma_start3A_337, %dma_start3A_338] : memref<1000000x32xf32, #tpu.memory_space<hbm>> -> memref<1000000x32xf32, #tpu.memory_space<hbm>>
        tpu.enqueue_indirect_dma source(%dma_start3A_339 : memref<1000000x32xf32, #tpu.memory_space<hbm>>) target(%dma_start3A_335 : memref<128x32xf32, #tpu.memory_space<vmem>>) offsets(%dma_start3A_336 : memref<128xi32, #tpu.memory_space<vmem>>) semaphore(%arg12 : memref<!tpu.dma_semaphore, #tpu.memory_space<semaphore_mem>>)
        %dma_start3A_340 = arith.constant 1 : i32
        %dma_start3A_341 = arith.constant 640 : i32
        %dma_start3A_342 = arith.constant 0 : i32
        %dma_start3A_343 = tpu.memref_slice %arg8[%dma_start3A_340, %dma_start3A_341, %dma_start3A_342] : memref<2x800x32xf32, #tpu.memory_space<vmem>> -> memref<1x128x32xf32, #tpu.memory_space<vmem>>
        %dma_start3A_344 = tpu.memref_squeeze %dma_start3A_343 : memref<1x128x32xf32, #tpu.memory_space<vmem>> -> memref<128x32xf32, #tpu.memory_space<vmem>>
        %dma_start3A_345 = tpu.memref_slice %arg6[%add3A_292] : memref<25600xi32, #tpu.memory_space<vmem>> -> memref<128xi32, #tpu.memory_space<vmem>>
        %dma_start3A_346 = arith.constant 0 : i32
        %dma_start3A_347 = arith.constant 0 : i32
        %dma_start3A_348 = tpu.memref_slice %arg4[%dma_start3A_346, %dma_start3A_347] : memref<1000000x32xf32, #tpu.memory_space<hbm>> -> memref<1000000x32xf32, #tpu.memory_space<hbm>>
        tpu.enqueue_indirect_dma source(%dma_start3A_348 : memref<1000000x32xf32, #tpu.memory_space<hbm>>) target(%dma_start3A_344 : memref<128x32xf32, #tpu.memory_space<vmem>>) offsets(%dma_start3A_345 : memref<128xi32, #tpu.memory_space<vmem>>) semaphore(%arg12 : memref<!tpu.dma_semaphore, #tpu.memory_space<semaphore_mem>>)
        %dma_start3A_349 = arith.constant 1 : i32
        %dma_start3A_350 = arith.constant 768 : i32
        %dma_start3A_351 = arith.constant 0 : i32
        %dma_start3A_352 = tpu.memref_slice %arg8[%dma_start3A_349, %dma_start3A_350, %dma_start3A_351] : memref<2x800x32xf32, #tpu.memory_space<vmem>> -> memref<1x32x32xf32, #tpu.memory_space<vmem>>
        %dma_start3A_353 = tpu.memref_squeeze %dma_start3A_352 : memref<1x32x32xf32, #tpu.memory_space<vmem>> -> memref<32x32xf32, #tpu.memory_space<vmem>>
        %dma_start3A_354 = tpu.memref_slice %arg6[%add3A_294] : memref<25600xi32, #tpu.memory_space<vmem>> -> memref<32xi32, #tpu.memory_space<vmem>>
        %dma_start3A_355 = arith.constant 0 : i32
        %dma_start3A_356 = arith.constant 0 : i32
        %dma_start3A_357 = tpu.memref_slice %arg4[%dma_start3A_355, %dma_start3A_356] : memref<1000000x32xf32, #tpu.memory_space<hbm>> -> memref<1000000x32xf32, #tpu.memory_space<hbm>>
        tpu.enqueue_indirect_dma source(%dma_start3A_357 : memref<1000000x32xf32, #tpu.memory_space<hbm>>) target(%dma_start3A_353 : memref<32x32xf32, #tpu.memory_space<vmem>>) offsets(%dma_start3A_354 : memref<32xi32, #tpu.memory_space<vmem>>) semaphore(%arg12 : memref<!tpu.dma_semaphore, #tpu.memory_space<semaphore_mem>>)
      } else {
      }
      %mul3A_97 = arith.constant 800 : i32
      %mul3A_98 = arith.muli %add3A_92, %mul3A_97 : i32
      %add3A_99 = arith.constant 0 : i32
      %add3A_100 = arith.addi %mul3A_98, %add3A_99 : i32
      %add3A_101 = arith.constant 128 : i32
      %add3A_102 = arith.addi %mul3A_98, %add3A_101 : i32
      %add3A_103 = arith.constant 256 : i32
      %add3A_104 = arith.addi %mul3A_98, %add3A_103 : i32
      %add3A_105 = arith.constant 384 : i32
      %add3A_106 = arith.addi %mul3A_98, %add3A_105 : i32
      %add3A_107 = arith.constant 512 : i32
      %add3A_108 = arith.addi %mul3A_98, %add3A_107 : i32
      %add3A_109 = arith.constant 640 : i32
      %add3A_110 = arith.addi %mul3A_98, %add3A_109 : i32
      %add3A_111 = arith.constant 768 : i32
      %add3A_112 = arith.addi %mul3A_98, %add3A_111 : i32
      %dma_wait3A = arith.constant 0 : i32
      %dma_wait3A_113 = arith.constant 0 : i32
      %dma_wait3A_114 = arith.constant 0 : i32
      %dma_wait3A_115 = tpu.memref_slice %arg8[%dma_wait3A, %dma_wait3A_113, %dma_wait3A_114] : memref<2x800x32xf32, #tpu.memory_space<vmem>> -> memref<1x128x32xf32, #tpu.memory_space<vmem>>
      %dma_wait3A_116 = tpu.memref_squeeze %dma_wait3A_115 : memref<1x128x32xf32, #tpu.memory_space<vmem>> -> memref<128x32xf32, #tpu.memory_space<vmem>>
      %dma_wait3A_117 = tpu.memref_slice %arg6[%add3A_100] : memref<25600xi32, #tpu.memory_space<vmem>> -> memref<128xi32, #tpu.memory_space<vmem>>
      %dma_wait3A_118 = arith.constant 0 : i32
      %dma_wait3A_119 = arith.constant 0 : i32
      %dma_wait3A_120 = tpu.memref_slice %arg4[%dma_wait3A_118, %dma_wait3A_119] : memref<1000000x32xf32, #tpu.memory_space<hbm>> -> memref<1000000x32xf32, #tpu.memory_space<hbm>>
      tpu.wait_indirect_dma semaphore(%arg11 : memref<!tpu.dma_semaphore, #tpu.memory_space<semaphore_mem>>) src(%dma_wait3A_120 : memref<1000000x32xf32, #tpu.memory_space<hbm>>) dst(%dma_wait3A_116 : memref<128x32xf32, #tpu.memory_space<vmem>>)
      %dma_wait3A_121 = arith.constant 0 : i32
      %dma_wait3A_122 = arith.constant 128 : i32
      %dma_wait3A_123 = arith.constant 0 : i32
      %dma_wait3A_124 = tpu.memref_slice %arg8[%dma_wait3A_121, %dma_wait3A_122, %dma_wait3A_123] : memref<2x800x32xf32, #tpu.memory_space<vmem>> -> memref<1x128x32xf32, #tpu.memory_space<vmem>>
      %dma_wait3A_125 = tpu.memref_squeeze %dma_wait3A_124 : memref<1x128x32xf32, #tpu.memory_space<vmem>> -> memref<128x32xf32, #tpu.memory_space<vmem>>
      %dma_wait3A_126 = tpu.memref_slice %arg6[%add3A_102] : memref<25600xi32, #tpu.memory_space<vmem>> -> memref<128xi32, #tpu.memory_space<vmem>>
      %dma_wait3A_127 = arith.constant 0 : i32
      %dma_wait3A_128 = arith.constant 0 : i32
      %dma_wait3A_129 = tpu.memref_slice %arg4[%dma_wait3A_127, %dma_wait3A_128] : memref<1000000x32xf32, #tpu.memory_space<hbm>> -> memref<1000000x32xf32, #tpu.memory_space<hbm>>
      tpu.wait_indirect_dma semaphore(%arg11 : memref<!tpu.dma_semaphore, #tpu.memory_space<semaphore_mem>>) src(%dma_wait3A_129 : memref<1000000x32xf32, #tpu.memory_space<hbm>>) dst(%dma_wait3A_125 : memref<128x32xf32, #tpu.memory_space<vmem>>)
      %dma_wait3A_130 = arith.constant 0 : i32
      %dma_wait3A_131 = arith.constant 256 : i32
      %dma_wait3A_132 = arith.constant 0 : i32
      %dma_wait3A_133 = tpu.memref_slice %arg8[%dma_wait3A_130, %dma_wait3A_131, %dma_wait3A_132] : memref<2x800x32xf32, #tpu.memory_space<vmem>> -> memref<1x128x32xf32, #tpu.memory_space<vmem>>
      %dma_wait3A_134 = tpu.memref_squeeze %dma_wait3A_133 : memref<1x128x32xf32, #tpu.memory_space<vmem>> -> memref<128x32xf32, #tpu.memory_space<vmem>>
      %dma_wait3A_135 = tpu.memref_slice %arg6[%add3A_104] : memref<25600xi32, #tpu.memory_space<vmem>> -> memref<128xi32, #tpu.memory_space<vmem>>
      %dma_wait3A_136 = arith.constant 0 : i32
      %dma_wait3A_137 = arith.constant 0 : i32
      %dma_wait3A_138 = tpu.memref_slice %arg4[%dma_wait3A_136, %dma_wait3A_137] : memref<1000000x32xf32, #tpu.memory_space<hbm>> -> memref<1000000x32xf32, #tpu.memory_space<hbm>>
      tpu.wait_indirect_dma semaphore(%arg11 : memref<!tpu.dma_semaphore, #tpu.memory_space<semaphore_mem>>) src(%dma_wait3A_138 : memref<1000000x32xf32, #tpu.memory_space<hbm>>) dst(%dma_wait3A_134 : memref<128x32xf32, #tpu.memory_space<vmem>>)
      %dma_wait3A_139 = arith.constant 0 : i32
      %dma_wait3A_140 = arith.constant 384 : i32
      %dma_wait3A_141 = arith.constant 0 : i32
      %dma_wait3A_142 = tpu.memref_slice %arg8[%dma_wait3A_139, %dma_wait3A_140, %dma_wait3A_141] : memref<2x800x32xf32, #tpu.memory_space<vmem>> -> memref<1x128x32xf32, #tpu.memory_space<vmem>>
      %dma_wait3A_143 = tpu.memref_squeeze %dma_wait3A_142 : memref<1x128x32xf32, #tpu.memory_space<vmem>> -> memref<128x32xf32, #tpu.memory_space<vmem>>
      %dma_wait3A_144 = tpu.memref_slice %arg6[%add3A_106] : memref<25600xi32, #tpu.memory_space<vmem>> -> memref<128xi32, #tpu.memory_space<vmem>>
      %dma_wait3A_145 = arith.constant 0 : i32
      %dma_wait3A_146 = arith.constant 0 : i32
      %dma_wait3A_147 = tpu.memref_slice %arg4[%dma_wait3A_145, %dma_wait3A_146] : memref<1000000x32xf32, #tpu.memory_space<hbm>> -> memref<1000000x32xf32, #tpu.memory_space<hbm>>
      tpu.wait_indirect_dma semaphore(%arg11 : memref<!tpu.dma_semaphore, #tpu.memory_space<semaphore_mem>>) src(%dma_wait3A_147 : memref<1000000x32xf32, #tpu.memory_space<hbm>>) dst(%dma_wait3A_143 : memref<128x32xf32, #tpu.memory_space<vmem>>)
      %dma_wait3A_148 = arith.constant 0 : i32
      %dma_wait3A_149 = arith.constant 512 : i32
      %dma_wait3A_150 = arith.constant 0 : i32
      %dma_wait3A_151 = tpu.memref_slice %arg8[%dma_wait3A_148, %dma_wait3A_149, %dma_wait3A_150] : memref<2x800x32xf32, #tpu.memory_space<vmem>> -> memref<1x128x32xf32, #tpu.memory_space<vmem>>
      %dma_wait3A_152 = tpu.memref_squeeze %dma_wait3A_151 : memref<1x128x32xf32, #tpu.memory_space<vmem>> -> memref<128x32xf32, #tpu.memory_space<vmem>>
      %dma_wait3A_153 = tpu.memref_slice %arg6[%add3A_108] : memref<25600xi32, #tpu.memory_space<vmem>> -> memref<128xi32, #tpu.memory_space<vmem>>
      %dma_wait3A_154 = arith.constant 0 : i32
      %dma_wait3A_155 = arith.constant 0 : i32
      %dma_wait3A_156 = tpu.memref_slice %arg4[%dma_wait3A_154, %dma_wait3A_155] : memref<1000000x32xf32, #tpu.memory_space<hbm>> -> memref<1000000x32xf32, #tpu.memory_space<hbm>>
      tpu.wait_indirect_dma semaphore(%arg11 : memref<!tpu.dma_semaphore, #tpu.memory_space<semaphore_mem>>) src(%dma_wait3A_156 : memref<1000000x32xf32, #tpu.memory_space<hbm>>) dst(%dma_wait3A_152 : memref<128x32xf32, #tpu.memory_space<vmem>>)
      %dma_wait3A_157 = arith.constant 0 : i32
      %dma_wait3A_158 = arith.constant 640 : i32
      %dma_wait3A_159 = arith.constant 0 : i32
      %dma_wait3A_160 = tpu.memref_slice %arg8[%dma_wait3A_157, %dma_wait3A_158, %dma_wait3A_159] : memref<2x800x32xf32, #tpu.memory_space<vmem>> -> memref<1x128x32xf32, #tpu.memory_space<vmem>>
      %dma_wait3A_161 = tpu.memref_squeeze %dma_wait3A_160 : memref<1x128x32xf32, #tpu.memory_space<vmem>> -> memref<128x32xf32, #tpu.memory_space<vmem>>
      %dma_wait3A_162 = tpu.memref_slice %arg6[%add3A_110] : memref<25600xi32, #tpu.memory_space<vmem>> -> memref<128xi32, #tpu.memory_space<vmem>>
      %dma_wait3A_163 = arith.constant 0 : i32
      %dma_wait3A_164 = arith.constant 0 : i32
      %dma_wait3A_165 = tpu.memref_slice %arg4[%dma_wait3A_163, %dma_wait3A_164] : memref<1000000x32xf32, #tpu.memory_space<hbm>> -> memref<1000000x32xf32, #tpu.memory_space<hbm>>
      tpu.wait_indirect_dma semaphore(%arg11 : memref<!tpu.dma_semaphore, #tpu.memory_space<semaphore_mem>>) src(%dma_wait3A_165 : memref<1000000x32xf32, #tpu.memory_space<hbm>>) dst(%dma_wait3A_161 : memref<128x32xf32, #tpu.memory_space<vmem>>)
      %dma_wait3A_166 = arith.constant 0 : i32
      %dma_wait3A_167 = arith.constant 768 : i32
      %dma_wait3A_168 = arith.constant 0 : i32
      %dma_wait3A_169 = tpu.memref_slice %arg8[%dma_wait3A_166, %dma_wait3A_167, %dma_wait3A_168] : memref<2x800x32xf32, #tpu.memory_space<vmem>> -> memref<1x32x32xf32, #tpu.memory_space<vmem>>
      %dma_wait3A_170 = tpu.memref_squeeze %dma_wait3A_169 : memref<1x32x32xf32, #tpu.memory_space<vmem>> -> memref<32x32xf32, #tpu.memory_space<vmem>>
      %dma_wait3A_171 = tpu.memref_slice %arg6[%add3A_112] : memref<25600xi32, #tpu.memory_space<vmem>> -> memref<32xi32, #tpu.memory_space<vmem>>
      %dma_wait3A_172 = arith.constant 0 : i32
      %dma_wait3A_173 = arith.constant 0 : i32
      %dma_wait3A_174 = tpu.memref_slice %arg4[%dma_wait3A_172, %dma_wait3A_173] : memref<1000000x32xf32, #tpu.memory_space<hbm>> -> memref<1000000x32xf32, #tpu.memory_space<hbm>>
      tpu.wait_indirect_dma semaphore(%arg11 : memref<!tpu.dma_semaphore, #tpu.memory_space<semaphore_mem>>) src(%dma_wait3A_174 : memref<1000000x32xf32, #tpu.memory_space<hbm>>) dst(%dma_wait3A_170 : memref<32x32xf32, #tpu.memory_space<vmem>>)
      %scan3A_175 = arith.constant 0 : i32
      %scan3A_176 = arith.constant 0 : i32
      %scan3A_177 = arith.constant 16 : i32
      %scan3A_178 = arith.addi %scan3A_176, %scan3A_177 : i32
      %scan3A_179 = arith.constant 1 : i32
      scf.for %scan3A_277 = %scan3A_176 to %scan3A_178 step %scan3A_179  : i32 {
        %mul3A_278 = arith.constant 8 : i32
        %mul3A_279 = arith.muli %add3A_92, %mul3A_278 : i32
        %div3A = arith.constant 2 : i32
        %div3A_280 = arith.divsi %scan3A_277, %div3A : i32
        %add3A_281 = arith.addi %mul3A_279, %div3A_280 : i32
        %rem3A = arith.constant 2 : i32
        %rem3A_282 = arith.remsi %scan3A_277, %rem3A : i32
        %mul3A_283 = arith.constant 64 : i32
        %mul3A_284 = arith.muli %rem3A_282, %mul3A_283 : i32
        %broadcast_in_dim3A = arith.constant 0 : i32
        %broadcast_in_dim3A_285 = vector.broadcast %broadcast_in_dim3A : i32 to vector<16xi32>
        %add3A_286 = arith.constant 0 : i32
        %add3A_287 = arith.addi %mul3A_284, %add3A_286 : i32
        %get3A_288 = arith.index_cast %add3A_281 : i32 to index
        %get3A_289 = arith.index_cast %add3A_287 : i32 to index
        %get3A_290 = tpu.vector_load %arg7[%get3A_288, %get3A_289] {strides = array<i32>} : memref<256x128xi32, #tpu.memory_space<vmem>>, vector<16xi32>,
        %min3A = arith.constant 1 : i32
        %min3A_291 = vector.broadcast %min3A : i32 to vector<16xi32>
        %min3A_292 = arith.minsi %get3A_290, %min3A_291 : vector<16xi32>
        %add3A_293 = arith.addi %broadcast_in_dim3A_285, %min3A_292 : vector<16xi32>
        %add3A_294 = arith.constant 16 : i32
        %add3A_295 = arith.addi %mul3A_284, %add3A_294 : i32
        %get3A_296 = arith.index_cast %add3A_281 : i32 to index
        %get3A_297 = arith.index_cast %add3A_295 : i32 to index
        %get3A_298 = tpu.vector_load %arg7[%get3A_296, %get3A_297] {strides = array<i32>} : memref<256x128xi32, #tpu.memory_space<vmem>>, vector<16xi32>,
        %min3A_299 = arith.constant 1 : i32
        %min3A_300 = vector.broadcast %min3A_299 : i32 to vector<16xi32>
        %min3A_301 = arith.minsi %get3A_298, %min3A_300 : vector<16xi32>
        %add3A_302 = arith.addi %add3A_293, %min3A_301 : vector<16xi32>
        %add3A_303 = arith.constant 32 : i32
        %add3A_304 = arith.addi %mul3A_284, %add3A_303 : i32
        %get3A_305 = arith.index_cast %add3A_281 : i32 to index
        %get3A_306 = arith.index_cast %add3A_304 : i32 to index
        %get3A_307 = tpu.vector_load %arg7[%get3A_305, %get3A_306] {strides = array<i32>} : memref<256x128xi32, #tpu.memory_space<vmem>>, vector<16xi32>,
        %min3A_308 = arith.constant 1 : i32
        %min3A_309 = vector.broadcast %min3A_308 : i32 to vector<16xi32>
        %min3A_310 = arith.minsi %get3A_307, %min3A_309 : vector<16xi32>
        %add3A_311 = arith.addi %add3A_302, %min3A_310 : vector<16xi32>
        %add3A_312 = arith.constant 48 : i32
        %add3A_313 = arith.addi %mul3A_284, %add3A_312 : i32
        %get3A_314 = arith.index_cast %add3A_281 : i32 to index
        %get3A_315 = arith.index_cast %add3A_313 : i32 to index
        %get3A_316 = tpu.vector_load %arg7[%get3A_314, %get3A_315] {strides = array<i32>} : memref<256x128xi32, #tpu.memory_space<vmem>>, vector<16xi32>,
        %min3A_317 = arith.constant 1 : i32
        %min3A_318 = vector.broadcast %min3A_317 : i32 to vector<16xi32>
        %min3A_319 = arith.minsi %get3A_316, %min3A_318 : vector<16xi32>
        %add3A_320 = arith.addi %add3A_311, %min3A_319 : vector<16xi32>
        %convert_element_type3A_321 = arith.sitofp %add3A_320 : vector<16xi32> to vector<16xf32>
        %reduce_sum3A = arith.constant true
        %reduce_sum3A_322 = vector.broadcast %reduce_sum3A : i1 to vector<16xi1>
        %reduce_sum3A_323 = tpu.scan <sum>, %convert_element_type3A_321 masked %reduce_sum3A_322 : vector<16xf32>, vector<16xi1> -> vector<16xf32>
        %reduce_sum3A_324 = vector.extract %reduce_sum3A_323[15] : f32 from vector<16xf32>
        %broadcast_in_dim3A_325 = vector.broadcast %reduce_sum3A_324 : f32 to vector<16xf32>
        %sub3A = arith.constant 5.000000e+01 : f32
        %sub3A_326 = vector.broadcast %sub3A : f32 to vector<16xf32>
        %sub3A_327 = arith.subf %sub3A_326, %broadcast_in_dim3A_325 : vector<16xf32>
        %mul3A_328 = arith.constant 50 : i32
        %mul3A_329 = arith.muli %scan3A_277, %mul3A_328 : i32
        %broadcast_in_dim3A_330 = arith.constant 0.000000e+00 : f32
        %broadcast_in_dim3A_331 = vector.broadcast %broadcast_in_dim3A_330 : f32 to vector<16xf32>
        %scan3A_332 = arith.constant 0 : i32
        %scan3A_333 = arith.constant 25 : i32
        %scan3A_334 = arith.addi %scan3A_332, %scan3A_333 : i32
        %scan3A_335 = arith.constant 1 : i32
        %scan3A_336:4 = scf.for %scan3A_359 = %scan3A_332 to %scan3A_334 step %scan3A_335 iter_args(%scan3A_360 = %broadcast_in_dim3A_331, %scan3A_361 = %broadcast_in_dim3A_331, %scan3A_362 = %broadcast_in_dim3A_331, %scan3A_363 = %broadcast_in_dim3A_331) -> (vector<16xf32>, vector<16xf32>, vector<16xf32>, vector<16xf32>)  : i32 {
          %mul3A_364 = arith.constant 2 : i32
          %mul3A_365 = arith.muli %scan3A_359, %mul3A_364 : i32
          %add3A_366 = arith.addi %mul3A_329, %mul3A_365 : i32
          %get3A_367 = arith.constant 0 : i32
          %get3A_368 = arith.index_cast %get3A_367 : i32 to index
          %get3A_369 = arith.index_cast %add3A_366 : i32 to index
          %get3A_370 = arith.constant 0 : index
          %get3A_371 = tpu.vector_load %arg8[%get3A_368, %get3A_369, %get3A_370] {strides = array<i32>} : memref<2x800x32xf32, #tpu.memory_space<vmem>>, vector<16xf32>,
          %get3A_372 = arith.constant 0 : i32
          %get3A_373 = arith.index_cast %get3A_372 : i32 to index
          %get3A_374 = arith.index_cast %add3A_366 : i32 to index
          %get3A_375 = arith.constant 16 : index
          %get3A_376 = tpu.vector_load %arg8[%get3A_373, %get3A_374, %get3A_375] {strides = array<i32>} : memref<2x800x32xf32, #tpu.memory_space<vmem>>, vector<16xf32>,
          %add3A_377 = arith.constant 1 : i32
          %add3A_378 = arith.addi %add3A_366, %add3A_377 : i32
          %get3A_379 = arith.constant 0 : i32
          %get3A_380 = arith.index_cast %get3A_379 : i32 to index
          %get3A_381 = arith.index_cast %add3A_378 : i32 to index
          %get3A_382 = arith.constant 0 : index
          %get3A_383 = tpu.vector_load %arg8[%get3A_380, %get3A_381, %get3A_382] {strides = array<i32>} : memref<2x800x32xf32, #tpu.memory_space<vmem>>, vector<16xf32>,
          %add3A_384 = arith.constant 1 : i32
          %add3A_385 = arith.addi %add3A_366, %add3A_384 : i32
          %get3A_386 = arith.constant 0 : i32
          %get3A_387 = arith.index_cast %get3A_386 : i32 to index
          %get3A_388 = arith.index_cast %add3A_385 : i32 to index
          %get3A_389 = arith.constant 16 : index
          %get3A_390 = tpu.vector_load %arg8[%get3A_387, %get3A_388, %get3A_389] {strides = array<i32>} : memref<2x800x32xf32, #tpu.memory_space<vmem>>, vector<16xf32>,
          %add3A_391 = arith.addf %scan3A_360, %get3A_371 : vector<16xf32>
          %add3A_392 = arith.addf %scan3A_361, %get3A_376 : vector<16xf32>
          %add3A_393 = arith.addf %scan3A_362, %get3A_383 : vector<16xf32>
          %add3A_394 = arith.addf %scan3A_363, %get3A_390 : vector<16xf32>
          scf.yield %add3A_391, %add3A_392, %add3A_393, %add3A_394 : vector<16xf32>, vector<16xf32>, vector<16xf32>, vector<16xf32>
        }
        %scan3A_337 = arith.constant 25 : i32
        %add3A_338 = arith.addf %scan3A_336#0, %scan3A_336#2 : vector<16xf32>
        %add3A_339 = arith.addf %scan3A_336#1, %scan3A_336#3 : vector<16xf32>
        %max3A = arith.constant 1.000000e+00 : f32
        %max3A_340 = vector.broadcast %max3A : f32 to vector<16xf32>
        %max3A_341 = arith.maximumf %broadcast_in_dim3A_325, %max3A_340 : vector<16xf32>
        %div3A_342 = arith.constant 1.000000e+00 : f32
        %div3A_343 = vector.broadcast %div3A_342 : f32 to vector<16xf32>
        %div3A_344 = arith.divf %div3A_343, %max3A_341 : vector<16xf32>
        %mul3A_345 = arith.constant 16 : i32
        %mul3A_346 = arith.muli %add3A_92, %mul3A_345 : i32
        %add3A_347 = arith.addi %mul3A_346, %scan3A_277 : i32
        %mul3A_348 = arith.mulf %sub3A_327, %get3A_7 : vector<16xf32>
        %sub3A_349 = arith.subf %add3A_338, %mul3A_348 : vector<16xf32>
        %mul3A_350 = arith.mulf %sub3A_349, %div3A_344 : vector<16xf32>
        %swap3A = arith.index_cast %add3A_347 : i32 to index
        %swap3A_351 = arith.constant 0 : index
        %swap3A_352 = tpu.vector_load %arg9[%swap3A, %swap3A_351] {strides = array<i32>} : memref<512x32xf32, #tpu.memory_space<vmem>>, vector<16xf32>,
        tpu.vector_store %arg9[%swap3A, %swap3A_351], %mul3A_350 {strides = array<i32>} : memref<512x32xf32, #tpu.memory_space<vmem>>, vector<16xf32>,
        %mul3A_353 = arith.mulf %sub3A_327, %get3A_11 : vector<16xf32>
        %sub3A_354 = arith.subf %add3A_339, %mul3A_353 : vector<16xf32>
        %mul3A_355 = arith.mulf %sub3A_354, %div3A_344 : vector<16xf32>
        %swap3A_356 = arith.index_cast %add3A_347 : i32 to index
        %swap3A_357 = arith.constant 16 : index
        %swap3A_358 = tpu.vector_load %arg9[%swap3A_356, %swap3A_357] {strides = array<i32>} : memref<512x32xf32, #tpu.memory_space<vmem>>, vector<16xf32>,
        tpu.vector_store %arg9[%swap3A_356, %swap3A_357], %mul3A_355 {strides = array<i32>} : memref<512x32xf32, #tpu.memory_space<vmem>>, vector<16xf32>,
      }
      %scan3A_180 = arith.constant 16 : i32
      %mul3A_181 = arith.constant 2 : i32
      %mul3A_182 = arith.muli %scan3A_88, %mul3A_181 : i32
      %add3A_183 = arith.constant 1 : i32
      %add3A_184 = arith.addi %mul3A_182, %add3A_183 : i32
      %add3A_185 = arith.constant 1 : i32
      %add3A_186 = arith.addi %add3A_184, %add3A_185 : i32
      %lt3A_187 = arith.constant 32 : i32
      %lt3A_188 = arith.cmpi slt, %add3A_186, %lt3A_187 : i32
      %convert_element_type3A_189 = arith.extui %lt3A_188 : i1 to i32
      %cond3A_190 = arith.constant 0 : i32
      %cond3A_191 = arith.cmpi ne, %convert_element_type3A_189, %cond3A_190 : i32
      scf.if %cond3A_191 {
        %add3A_277 = arith.constant 1 : i32
        %add3A_278 = arith.addi %add3A_184, %add3A_277 : i32
        %mul3A_279 = arith.constant 800 : i32
        %mul3A_280 = arith.muli %add3A_278, %mul3A_279 : i32
        %add3A_281 = arith.constant 0 : i32
        %add3A_282 = arith.addi %mul3A_280, %add3A_281 : i32
        %add3A_283 = arith.constant 128 : i32
        %add3A_284 = arith.addi %mul3A_280, %add3A_283 : i32
        %add3A_285 = arith.constant 256 : i32
        %add3A_286 = arith.addi %mul3A_280, %add3A_285 : i32
        %add3A_287 = arith.constant 384 : i32
        %add3A_288 = arith.addi %mul3A_280, %add3A_287 : i32
        %add3A_289 = arith.constant 512 : i32
        %add3A_290 = arith.addi %mul3A_280, %add3A_289 : i32
        %add3A_291 = arith.constant 640 : i32
        %add3A_292 = arith.addi %mul3A_280, %add3A_291 : i32
        %add3A_293 = arith.constant 768 : i32
        %add3A_294 = arith.addi %mul3A_280, %add3A_293 : i32
        %dma_start3A_295 = arith.constant 0 : i32
        %dma_start3A_296 = arith.constant 0 : i32
        %dma_start3A_297 = arith.constant 0 : i32
        %dma_start3A_298 = tpu.memref_slice %arg8[%dma_start3A_295, %dma_start3A_296, %dma_start3A_297] : memref<2x800x32xf32, #tpu.memory_space<vmem>> -> memref<1x128x32xf32, #tpu.memory_space<vmem>>
        %dma_start3A_299 = tpu.memref_squeeze %dma_start3A_298 : memref<1x128x32xf32, #tpu.memory_space<vmem>> -> memref<128x32xf32, #tpu.memory_space<vmem>>
        %dma_start3A_300 = tpu.memref_slice %arg6[%add3A_282] : memref<25600xi32, #tpu.memory_space<vmem>> -> memref<128xi32, #tpu.memory_space<vmem>>
        %dma_start3A_301 = arith.constant 0 : i32
        %dma_start3A_302 = arith.constant 0 : i32
        %dma_start3A_303 = tpu.memref_slice %arg4[%dma_start3A_301, %dma_start3A_302] : memref<1000000x32xf32, #tpu.memory_space<hbm>> -> memref<1000000x32xf32, #tpu.memory_space<hbm>>
        tpu.enqueue_indirect_dma source(%dma_start3A_303 : memref<1000000x32xf32, #tpu.memory_space<hbm>>) target(%dma_start3A_299 : memref<128x32xf32, #tpu.memory_space<vmem>>) offsets(%dma_start3A_300 : memref<128xi32, #tpu.memory_space<vmem>>) semaphore(%arg11 : memref<!tpu.dma_semaphore, #tpu.memory_space<semaphore_mem>>)
        %dma_start3A_304 = arith.constant 0 : i32
        %dma_start3A_305 = arith.constant 128 : i32
        %dma_start3A_306 = arith.constant 0 : i32
        %dma_start3A_307 = tpu.memref_slice %arg8[%dma_start3A_304, %dma_start3A_305, %dma_start3A_306] : memref<2x800x32xf32, #tpu.memory_space<vmem>> -> memref<1x128x32xf32, #tpu.memory_space<vmem>>
        %dma_start3A_308 = tpu.memref_squeeze %dma_start3A_307 : memref<1x128x32xf32, #tpu.memory_space<vmem>> -> memref<128x32xf32, #tpu.memory_space<vmem>>
        %dma_start3A_309 = tpu.memref_slice %arg6[%add3A_284] : memref<25600xi32, #tpu.memory_space<vmem>> -> memref<128xi32, #tpu.memory_space<vmem>>
        %dma_start3A_310 = arith.constant 0 : i32
        %dma_start3A_311 = arith.constant 0 : i32
        %dma_start3A_312 = tpu.memref_slice %arg4[%dma_start3A_310, %dma_start3A_311] : memref<1000000x32xf32, #tpu.memory_space<hbm>> -> memref<1000000x32xf32, #tpu.memory_space<hbm>>
        tpu.enqueue_indirect_dma source(%dma_start3A_312 : memref<1000000x32xf32, #tpu.memory_space<hbm>>) target(%dma_start3A_308 : memref<128x32xf32, #tpu.memory_space<vmem>>) offsets(%dma_start3A_309 : memref<128xi32, #tpu.memory_space<vmem>>) semaphore(%arg11 : memref<!tpu.dma_semaphore, #tpu.memory_space<semaphore_mem>>)
        %dma_start3A_313 = arith.constant 0 : i32
        %dma_start3A_314 = arith.constant 256 : i32
        %dma_start3A_315 = arith.constant 0 : i32
        %dma_start3A_316 = tpu.memref_slice %arg8[%dma_start3A_313, %dma_start3A_314, %dma_start3A_315] : memref<2x800x32xf32, #tpu.memory_space<vmem>> -> memref<1x128x32xf32, #tpu.memory_space<vmem>>
        %dma_start3A_317 = tpu.memref_squeeze %dma_start3A_316 : memref<1x128x32xf32, #tpu.memory_space<vmem>> -> memref<128x32xf32, #tpu.memory_space<vmem>>
        %dma_start3A_318 = tpu.memref_slice %arg6[%add3A_286] : memref<25600xi32, #tpu.memory_space<vmem>> -> memref<128xi32, #tpu.memory_space<vmem>>
        %dma_start3A_319 = arith.constant 0 : i32
        %dma_start3A_320 = arith.constant 0 : i32
        %dma_start3A_321 = tpu.memref_slice %arg4[%dma_start3A_319, %dma_start3A_320] : memref<1000000x32xf32, #tpu.memory_space<hbm>> -> memref<1000000x32xf32, #tpu.memory_space<hbm>>
        tpu.enqueue_indirect_dma source(%dma_start3A_321 : memref<1000000x32xf32, #tpu.memory_space<hbm>>) target(%dma_start3A_317 : memref<128x32xf32, #tpu.memory_space<vmem>>) offsets(%dma_start3A_318 : memref<128xi32, #tpu.memory_space<vmem>>) semaphore(%arg11 : memref<!tpu.dma_semaphore, #tpu.memory_space<semaphore_mem>>)
        %dma_start3A_322 = arith.constant 0 : i32
        %dma_start3A_323 = arith.constant 384 : i32
        %dma_start3A_324 = arith.constant 0 : i32
        %dma_start3A_325 = tpu.memref_slice %arg8[%dma_start3A_322, %dma_start3A_323, %dma_start3A_324] : memref<2x800x32xf32, #tpu.memory_space<vmem>> -> memref<1x128x32xf32, #tpu.memory_space<vmem>>
        %dma_start3A_326 = tpu.memref_squeeze %dma_start3A_325 : memref<1x128x32xf32, #tpu.memory_space<vmem>> -> memref<128x32xf32, #tpu.memory_space<vmem>>
        %dma_start3A_327 = tpu.memref_slice %arg6[%add3A_288] : memref<25600xi32, #tpu.memory_space<vmem>> -> memref<128xi32, #tpu.memory_space<vmem>>
        %dma_start3A_328 = arith.constant 0 : i32
        %dma_start3A_329 = arith.constant 0 : i32
        %dma_start3A_330 = tpu.memref_slice %arg4[%dma_start3A_328, %dma_start3A_329] : memref<1000000x32xf32, #tpu.memory_space<hbm>> -> memref<1000000x32xf32, #tpu.memory_space<hbm>>
        tpu.enqueue_indirect_dma source(%dma_start3A_330 : memref<1000000x32xf32, #tpu.memory_space<hbm>>) target(%dma_start3A_326 : memref<128x32xf32, #tpu.memory_space<vmem>>) offsets(%dma_start3A_327 : memref<128xi32, #tpu.memory_space<vmem>>) semaphore(%arg11 : memref<!tpu.dma_semaphore, #tpu.memory_space<semaphore_mem>>)
        %dma_start3A_331 = arith.constant 0 : i32
        %dma_start3A_332 = arith.constant 512 : i32
        %dma_start3A_333 = arith.constant 0 : i32
        %dma_start3A_334 = tpu.memref_slice %arg8[%dma_start3A_331, %dma_start3A_332, %dma_start3A_333] : memref<2x800x32xf32, #tpu.memory_space<vmem>> -> memref<1x128x32xf32, #tpu.memory_space<vmem>>
        %dma_start3A_335 = tpu.memref_squeeze %dma_start3A_334 : memref<1x128x32xf32, #tpu.memory_space<vmem>> -> memref<128x32xf32, #tpu.memory_space<vmem>>
        %dma_start3A_336 = tpu.memref_slice %arg6[%add3A_290] : memref<25600xi32, #tpu.memory_space<vmem>> -> memref<128xi32, #tpu.memory_space<vmem>>
        %dma_start3A_337 = arith.constant 0 : i32
        %dma_start3A_338 = arith.constant 0 : i32
        %dma_start3A_339 = tpu.memref_slice %arg4[%dma_start3A_337, %dma_start3A_338] : memref<1000000x32xf32, #tpu.memory_space<hbm>> -> memref<1000000x32xf32, #tpu.memory_space<hbm>>
        tpu.enqueue_indirect_dma source(%dma_start3A_339 : memref<1000000x32xf32, #tpu.memory_space<hbm>>) target(%dma_start3A_335 : memref<128x32xf32, #tpu.memory_space<vmem>>) offsets(%dma_start3A_336 : memref<128xi32, #tpu.memory_space<vmem>>) semaphore(%arg11 : memref<!tpu.dma_semaphore, #tpu.memory_space<semaphore_mem>>)
        %dma_start3A_340 = arith.constant 0 : i32
        %dma_start3A_341 = arith.constant 640 : i32
        %dma_start3A_342 = arith.constant 0 : i32
        %dma_start3A_343 = tpu.memref_slice %arg8[%dma_start3A_340, %dma_start3A_341, %dma_start3A_342] : memref<2x800x32xf32, #tpu.memory_space<vmem>> -> memref<1x128x32xf32, #tpu.memory_space<vmem>>
        %dma_start3A_344 = tpu.memref_squeeze %dma_start3A_343 : memref<1x128x32xf32, #tpu.memory_space<vmem>> -> memref<128x32xf32, #tpu.memory_space<vmem>>
        %dma_start3A_345 = tpu.memref_slice %arg6[%add3A_292] : memref<25600xi32, #tpu.memory_space<vmem>> -> memref<128xi32, #tpu.memory_space<vmem>>
        %dma_start3A_346 = arith.constant 0 : i32
        %dma_start3A_347 = arith.constant 0 : i32
        %dma_start3A_348 = tpu.memref_slice %arg4[%dma_start3A_346, %dma_start3A_347] : memref<1000000x32xf32, #tpu.memory_space<hbm>> -> memref<1000000x32xf32, #tpu.memory_space<hbm>>
        tpu.enqueue_indirect_dma source(%dma_start3A_348 : memref<1000000x32xf32, #tpu.memory_space<hbm>>) target(%dma_start3A_344 : memref<128x32xf32, #tpu.memory_space<vmem>>) offsets(%dma_start3A_345 : memref<128xi32, #tpu.memory_space<vmem>>) semaphore(%arg11 : memref<!tpu.dma_semaphore, #tpu.memory_space<semaphore_mem>>)
        %dma_start3A_349 = arith.constant 0 : i32
        %dma_start3A_350 = arith.constant 768 : i32
        %dma_start3A_351 = arith.constant 0 : i32
        %dma_start3A_352 = tpu.memref_slice %arg8[%dma_start3A_349, %dma_start3A_350, %dma_start3A_351] : memref<2x800x32xf32, #tpu.memory_space<vmem>> -> memref<1x32x32xf32, #tpu.memory_space<vmem>>
        %dma_start3A_353 = tpu.memref_squeeze %dma_start3A_352 : memref<1x32x32xf32, #tpu.memory_space<vmem>> -> memref<32x32xf32, #tpu.memory_space<vmem>>
        %dma_start3A_354 = tpu.memref_slice %arg6[%add3A_294] : memref<25600xi32, #tpu.memory_space<vmem>> -> memref<32xi32, #tpu.memory_space<vmem>>
        %dma_start3A_355 = arith.constant 0 : i32
        %dma_start3A_356 = arith.constant 0 : i32
        %dma_start3A_357 = tpu.memref_slice %arg4[%dma_start3A_355, %dma_start3A_356] : memref<1000000x32xf32, #tpu.memory_space<hbm>> -> memref<1000000x32xf32, #tpu.memory_space<hbm>>
        tpu.enqueue_indirect_dma source(%dma_start3A_357 : memref<1000000x32xf32, #tpu.memory_space<hbm>>) target(%dma_start3A_353 : memref<32x32xf32, #tpu.memory_space<vmem>>) offsets(%dma_start3A_354 : memref<32xi32, #tpu.memory_space<vmem>>) semaphore(%arg11 : memref<!tpu.dma_semaphore, #tpu.memory_space<semaphore_mem>>)
      } else {
      }
      %mul3A_192 = arith.constant 800 : i32
      %mul3A_193 = arith.muli %add3A_184, %mul3A_192 : i32
      %add3A_194 = arith.constant 0 : i32
      %add3A_195 = arith.addi %mul3A_193, %add3A_194 : i32
      %add3A_196 = arith.constant 128 : i32
      %add3A_197 = arith.addi %mul3A_193, %add3A_196 : i32
      %add3A_198 = arith.constant 256 : i32
      %add3A_199 = arith.addi %mul3A_193, %add3A_198 : i32
      %add3A_200 = arith.constant 384 : i32
      %add3A_201 = arith.addi %mul3A_193, %add3A_200 : i32
      %add3A_202 = arith.constant 512 : i32
      %add3A_203 = arith.addi %mul3A_193, %add3A_202 : i32
      %add3A_204 = arith.constant 640 : i32
      %add3A_205 = arith.addi %mul3A_193, %add3A_204 : i32
      %add3A_206 = arith.constant 768 : i32
      %add3A_207 = arith.addi %mul3A_193, %add3A_206 : i32
      %dma_wait3A_208 = arith.constant 1 : i32
      %dma_wait3A_209 = arith.constant 0 : i32
      %dma_wait3A_210 = arith.constant 0 : i32
      %dma_wait3A_211 = tpu.memref_slice %arg8[%dma_wait3A_208, %dma_wait3A_209, %dma_wait3A_210] : memref<2x800x32xf32, #tpu.memory_space<vmem>> -> memref<1x128x32xf32, #tpu.memory_space<vmem>>
      %dma_wait3A_212 = tpu.memref_squeeze %dma_wait3A_211 : memref<1x128x32xf32, #tpu.memory_space<vmem>> -> memref<128x32xf32, #tpu.memory_space<vmem>>
      %dma_wait3A_213 = tpu.memref_slice %arg6[%add3A_195] : memref<25600xi32, #tpu.memory_space<vmem>> -> memref<128xi32, #tpu.memory_space<vmem>>
      %dma_wait3A_214 = arith.constant 0 : i32
      %dma_wait3A_215 = arith.constant 0 : i32
      %dma_wait3A_216 = tpu.memref_slice %arg4[%dma_wait3A_214, %dma_wait3A_215] : memref<1000000x32xf32, #tpu.memory_space<hbm>> -> memref<1000000x32xf32, #tpu.memory_space<hbm>>
      tpu.wait_indirect_dma semaphore(%arg12 : memref<!tpu.dma_semaphore, #tpu.memory_space<semaphore_mem>>) src(%dma_wait3A_216 : memref<1000000x32xf32, #tpu.memory_space<hbm>>) dst(%dma_wait3A_212 : memref<128x32xf32, #tpu.memory_space<vmem>>)
      %dma_wait3A_217 = arith.constant 1 : i32
      %dma_wait3A_218 = arith.constant 128 : i32
      %dma_wait3A_219 = arith.constant 0 : i32
      %dma_wait3A_220 = tpu.memref_slice %arg8[%dma_wait3A_217, %dma_wait3A_218, %dma_wait3A_219] : memref<2x800x32xf32, #tpu.memory_space<vmem>> -> memref<1x128x32xf32, #tpu.memory_space<vmem>>
      %dma_wait3A_221 = tpu.memref_squeeze %dma_wait3A_220 : memref<1x128x32xf32, #tpu.memory_space<vmem>> -> memref<128x32xf32, #tpu.memory_space<vmem>>
      %dma_wait3A_222 = tpu.memref_slice %arg6[%add3A_197] : memref<25600xi32, #tpu.memory_space<vmem>> -> memref<128xi32, #tpu.memory_space<vmem>>
      %dma_wait3A_223 = arith.constant 0 : i32
      %dma_wait3A_224 = arith.constant 0 : i32
      %dma_wait3A_225 = tpu.memref_slice %arg4[%dma_wait3A_223, %dma_wait3A_224] : memref<1000000x32xf32, #tpu.memory_space<hbm>> -> memref<1000000x32xf32, #tpu.memory_space<hbm>>
      tpu.wait_indirect_dma semaphore(%arg12 : memref<!tpu.dma_semaphore, #tpu.memory_space<semaphore_mem>>) src(%dma_wait3A_225 : memref<1000000x32xf32, #tpu.memory_space<hbm>>) dst(%dma_wait3A_221 : memref<128x32xf32, #tpu.memory_space<vmem>>)
      %dma_wait3A_226 = arith.constant 1 : i32
      %dma_wait3A_227 = arith.constant 256 : i32
      %dma_wait3A_228 = arith.constant 0 : i32
      %dma_wait3A_229 = tpu.memref_slice %arg8[%dma_wait3A_226, %dma_wait3A_227, %dma_wait3A_228] : memref<2x800x32xf32, #tpu.memory_space<vmem>> -> memref<1x128x32xf32, #tpu.memory_space<vmem>>
      %dma_wait3A_230 = tpu.memref_squeeze %dma_wait3A_229 : memref<1x128x32xf32, #tpu.memory_space<vmem>> -> memref<128x32xf32, #tpu.memory_space<vmem>>
      %dma_wait3A_231 = tpu.memref_slice %arg6[%add3A_199] : memref<25600xi32, #tpu.memory_space<vmem>> -> memref<128xi32, #tpu.memory_space<vmem>>
      %dma_wait3A_232 = arith.constant 0 : i32
      %dma_wait3A_233 = arith.constant 0 : i32
      %dma_wait3A_234 = tpu.memref_slice %arg4[%dma_wait3A_232, %dma_wait3A_233] : memref<1000000x32xf32, #tpu.memory_space<hbm>> -> memref<1000000x32xf32, #tpu.memory_space<hbm>>
      tpu.wait_indirect_dma semaphore(%arg12 : memref<!tpu.dma_semaphore, #tpu.memory_space<semaphore_mem>>) src(%dma_wait3A_234 : memref<1000000x32xf32, #tpu.memory_space<hbm>>) dst(%dma_wait3A_230 : memref<128x32xf32, #tpu.memory_space<vmem>>)
      %dma_wait3A_235 = arith.constant 1 : i32
      %dma_wait3A_236 = arith.constant 384 : i32
      %dma_wait3A_237 = arith.constant 0 : i32
      %dma_wait3A_238 = tpu.memref_slice %arg8[%dma_wait3A_235, %dma_wait3A_236, %dma_wait3A_237] : memref<2x800x32xf32, #tpu.memory_space<vmem>> -> memref<1x128x32xf32, #tpu.memory_space<vmem>>
      %dma_wait3A_239 = tpu.memref_squeeze %dma_wait3A_238 : memref<1x128x32xf32, #tpu.memory_space<vmem>> -> memref<128x32xf32, #tpu.memory_space<vmem>>
      %dma_wait3A_240 = tpu.memref_slice %arg6[%add3A_201] : memref<25600xi32, #tpu.memory_space<vmem>> -> memref<128xi32, #tpu.memory_space<vmem>>
      %dma_wait3A_241 = arith.constant 0 : i32
      %dma_wait3A_242 = arith.constant 0 : i32
      %dma_wait3A_243 = tpu.memref_slice %arg4[%dma_wait3A_241, %dma_wait3A_242] : memref<1000000x32xf32, #tpu.memory_space<hbm>> -> memref<1000000x32xf32, #tpu.memory_space<hbm>>
      tpu.wait_indirect_dma semaphore(%arg12 : memref<!tpu.dma_semaphore, #tpu.memory_space<semaphore_mem>>) src(%dma_wait3A_243 : memref<1000000x32xf32, #tpu.memory_space<hbm>>) dst(%dma_wait3A_239 : memref<128x32xf32, #tpu.memory_space<vmem>>)
      %dma_wait3A_244 = arith.constant 1 : i32
      %dma_wait3A_245 = arith.constant 512 : i32
      %dma_wait3A_246 = arith.constant 0 : i32
      %dma_wait3A_247 = tpu.memref_slice %arg8[%dma_wait3A_244, %dma_wait3A_245, %dma_wait3A_246] : memref<2x800x32xf32, #tpu.memory_space<vmem>> -> memref<1x128x32xf32, #tpu.memory_space<vmem>>
      %dma_wait3A_248 = tpu.memref_squeeze %dma_wait3A_247 : memref<1x128x32xf32, #tpu.memory_space<vmem>> -> memref<128x32xf32, #tpu.memory_space<vmem>>
      %dma_wait3A_249 = tpu.memref_slice %arg6[%add3A_203] : memref<25600xi32, #tpu.memory_space<vmem>> -> memref<128xi32, #tpu.memory_space<vmem>>
      %dma_wait3A_250 = arith.constant 0 : i32
      %dma_wait3A_251 = arith.constant 0 : i32
      %dma_wait3A_252 = tpu.memref_slice %arg4[%dma_wait3A_250, %dma_wait3A_251] : memref<1000000x32xf32, #tpu.memory_space<hbm>> -> memref<1000000x32xf32, #tpu.memory_space<hbm>>
      tpu.wait_indirect_dma semaphore(%arg12 : memref<!tpu.dma_semaphore, #tpu.memory_space<semaphore_mem>>) src(%dma_wait3A_252 : memref<1000000x32xf32, #tpu.memory_space<hbm>>) dst(%dma_wait3A_248 : memref<128x32xf32, #tpu.memory_space<vmem>>)
      %dma_wait3A_253 = arith.constant 1 : i32
      %dma_wait3A_254 = arith.constant 640 : i32
      %dma_wait3A_255 = arith.constant 0 : i32
      %dma_wait3A_256 = tpu.memref_slice %arg8[%dma_wait3A_253, %dma_wait3A_254, %dma_wait3A_255] : memref<2x800x32xf32, #tpu.memory_space<vmem>> -> memref<1x128x32xf32, #tpu.memory_space<vmem>>
      %dma_wait3A_257 = tpu.memref_squeeze %dma_wait3A_256 : memref<1x128x32xf32, #tpu.memory_space<vmem>> -> memref<128x32xf32, #tpu.memory_space<vmem>>
      %dma_wait3A_258 = tpu.memref_slice %arg6[%add3A_205] : memref<25600xi32, #tpu.memory_space<vmem>> -> memref<128xi32, #tpu.memory_space<vmem>>
      %dma_wait3A_259 = arith.constant 0 : i32
      %dma_wait3A_260 = arith.constant 0 : i32
      %dma_wait3A_261 = tpu.memref_slice %arg4[%dma_wait3A_259, %dma_wait3A_260] : memref<1000000x32xf32, #tpu.memory_space<hbm>> -> memref<1000000x32xf32, #tpu.memory_space<hbm>>
      tpu.wait_indirect_dma semaphore(%arg12 : memref<!tpu.dma_semaphore, #tpu.memory_space<semaphore_mem>>) src(%dma_wait3A_261 : memref<1000000x32xf32, #tpu.memory_space<hbm>>) dst(%dma_wait3A_257 : memref<128x32xf32, #tpu.memory_space<vmem>>)
      %dma_wait3A_262 = arith.constant 1 : i32
      %dma_wait3A_263 = arith.constant 768 : i32
      %dma_wait3A_264 = arith.constant 0 : i32
      %dma_wait3A_265 = tpu.memref_slice %arg8[%dma_wait3A_262, %dma_wait3A_263, %dma_wait3A_264] : memref<2x800x32xf32, #tpu.memory_space<vmem>> -> memref<1x32x32xf32, #tpu.memory_space<vmem>>
      %dma_wait3A_266 = tpu.memref_squeeze %dma_wait3A_265 : memref<1x32x32xf32, #tpu.memory_space<vmem>> -> memref<32x32xf32, #tpu.memory_space<vmem>>
      %dma_wait3A_267 = tpu.memref_slice %arg6[%add3A_207] : memref<25600xi32, #tpu.memory_space<vmem>> -> memref<32xi32, #tpu.memory_space<vmem>>
      %dma_wait3A_268 = arith.constant 0 : i32
      %dma_wait3A_269 = arith.constant 0 : i32
      %dma_wait3A_270 = tpu.memref_slice %arg4[%dma_wait3A_268, %dma_wait3A_269] : memref<1000000x32xf32, #tpu.memory_space<hbm>> -> memref<1000000x32xf32, #tpu.memory_space<hbm>>
      tpu.wait_indirect_dma semaphore(%arg12 : memref<!tpu.dma_semaphore, #tpu.memory_space<semaphore_mem>>) src(%dma_wait3A_270 : memref<1000000x32xf32, #tpu.memory_space<hbm>>) dst(%dma_wait3A_266 : memref<32x32xf32, #tpu.memory_space<vmem>>)
      %scan3A_271 = arith.constant 0 : i32
      %scan3A_272 = arith.constant 0 : i32
      %scan3A_273 = arith.constant 16 : i32
      %scan3A_274 = arith.addi %scan3A_272, %scan3A_273 : i32
      %scan3A_275 = arith.constant 1 : i32
      scf.for %scan3A_277 = %scan3A_272 to %scan3A_274 step %scan3A_275  : i32 {
        %mul3A_278 = arith.constant 8 : i32
        %mul3A_279 = arith.muli %add3A_184, %mul3A_278 : i32
        %div3A = arith.constant 2 : i32
        %div3A_280 = arith.divsi %scan3A_277, %div3A : i32
        %add3A_281 = arith.addi %mul3A_279, %div3A_280 : i32
        %rem3A = arith.constant 2 : i32
        %rem3A_282 = arith.remsi %scan3A_277, %rem3A : i32
        %mul3A_283 = arith.constant 64 : i32
        %mul3A_284 = arith.muli %rem3A_282, %mul3A_283 : i32
        %broadcast_in_dim3A = arith.constant 0 : i32
        %broadcast_in_dim3A_285 = vector.broadcast %broadcast_in_dim3A : i32 to vector<16xi32>
        %add3A_286 = arith.constant 0 : i32
        %add3A_287 = arith.addi %mul3A_284, %add3A_286 : i32
        %get3A_288 = arith.index_cast %add3A_281 : i32 to index
        %get3A_289 = arith.index_cast %add3A_287 : i32 to index
        %get3A_290 = tpu.vector_load %arg7[%get3A_288, %get3A_289] {strides = array<i32>} : memref<256x128xi32, #tpu.memory_space<vmem>>, vector<16xi32>,
        %min3A = arith.constant 1 : i32
        %min3A_291 = vector.broadcast %min3A : i32 to vector<16xi32>
        %min3A_292 = arith.minsi %get3A_290, %min3A_291 : vector<16xi32>
        %add3A_293 = arith.addi %broadcast_in_dim3A_285, %min3A_292 : vector<16xi32>
        %add3A_294 = arith.constant 16 : i32
        %add3A_295 = arith.addi %mul3A_284, %add3A_294 : i32
        %get3A_296 = arith.index_cast %add3A_281 : i32 to index
        %get3A_297 = arith.index_cast %add3A_295 : i32 to index
        %get3A_298 = tpu.vector_load %arg7[%get3A_296, %get3A_297] {strides = array<i32>} : memref<256x128xi32, #tpu.memory_space<vmem>>, vector<16xi32>,
        %min3A_299 = arith.constant 1 : i32
        %min3A_300 = vector.broadcast %min3A_299 : i32 to vector<16xi32>
        %min3A_301 = arith.minsi %get3A_298, %min3A_300 : vector<16xi32>
        %add3A_302 = arith.addi %add3A_293, %min3A_301 : vector<16xi32>
        %add3A_303 = arith.constant 32 : i32
        %add3A_304 = arith.addi %mul3A_284, %add3A_303 : i32
        %get3A_305 = arith.index_cast %add3A_281 : i32 to index
        %get3A_306 = arith.index_cast %add3A_304 : i32 to index
        %get3A_307 = tpu.vector_load %arg7[%get3A_305, %get3A_306] {strides = array<i32>} : memref<256x128xi32, #tpu.memory_space<vmem>>, vector<16xi32>,
        %min3A_308 = arith.constant 1 : i32
        %min3A_309 = vector.broadcast %min3A_308 : i32 to vector<16xi32>
        %min3A_310 = arith.minsi %get3A_307, %min3A_309 : vector<16xi32>
        %add3A_311 = arith.addi %add3A_302, %min3A_310 : vector<16xi32>
        %add3A_312 = arith.constant 48 : i32
        %add3A_313 = arith.addi %mul3A_284, %add3A_312 : i32
        %get3A_314 = arith.index_cast %add3A_281 : i32 to index
        %get3A_315 = arith.index_cast %add3A_313 : i32 to index
        %get3A_316 = tpu.vector_load %arg7[%get3A_314, %get3A_315] {strides = array<i32>} : memref<256x128xi32, #tpu.memory_space<vmem>>, vector<16xi32>,
        %min3A_317 = arith.constant 1 : i32
        %min3A_318 = vector.broadcast %min3A_317 : i32 to vector<16xi32>
        %min3A_319 = arith.minsi %get3A_316, %min3A_318 : vector<16xi32>
        %add3A_320 = arith.addi %add3A_311, %min3A_319 : vector<16xi32>
        %convert_element_type3A_321 = arith.sitofp %add3A_320 : vector<16xi32> to vector<16xf32>
        %reduce_sum3A = arith.constant true
        %reduce_sum3A_322 = vector.broadcast %reduce_sum3A : i1 to vector<16xi1>
        %reduce_sum3A_323 = tpu.scan <sum>, %convert_element_type3A_321 masked %reduce_sum3A_322 : vector<16xf32>, vector<16xi1> -> vector<16xf32>
        %reduce_sum3A_324 = vector.extract %reduce_sum3A_323[15] : f32 from vector<16xf32>
        %broadcast_in_dim3A_325 = vector.broadcast %reduce_sum3A_324 : f32 to vector<16xf32>
        %sub3A = arith.constant 5.000000e+01 : f32
        %sub3A_326 = vector.broadcast %sub3A : f32 to vector<16xf32>
        %sub3A_327 = arith.subf %sub3A_326, %broadcast_in_dim3A_325 : vector<16xf32>
        %mul3A_328 = arith.constant 50 : i32
        %mul3A_329 = arith.muli %scan3A_277, %mul3A_328 : i32
        %broadcast_in_dim3A_330 = arith.constant 0.000000e+00 : f32
        %broadcast_in_dim3A_331 = vector.broadcast %broadcast_in_dim3A_330 : f32 to vector<16xf32>
        %scan3A_332 = arith.constant 0 : i32
        %scan3A_333 = arith.constant 25 : i32
        %scan3A_334 = arith.addi %scan3A_332, %scan3A_333 : i32
        %scan3A_335 = arith.constant 1 : i32
        %scan3A_336:4 = scf.for %scan3A_359 = %scan3A_332 to %scan3A_334 step %scan3A_335 iter_args(%scan3A_360 = %broadcast_in_dim3A_331, %scan3A_361 = %broadcast_in_dim3A_331, %scan3A_362 = %broadcast_in_dim3A_331, %scan3A_363 = %broadcast_in_dim3A_331) -> (vector<16xf32>, vector<16xf32>, vector<16xf32>, vector<16xf32>)  : i32 {
          %mul3A_364 = arith.constant 2 : i32
          %mul3A_365 = arith.muli %scan3A_359, %mul3A_364 : i32
          %add3A_366 = arith.addi %mul3A_329, %mul3A_365 : i32
          %get3A_367 = arith.constant 1 : i32
          %get3A_368 = arith.index_cast %get3A_367 : i32 to index
          %get3A_369 = arith.index_cast %add3A_366 : i32 to index
          %get3A_370 = arith.constant 0 : index
          %get3A_371 = tpu.vector_load %arg8[%get3A_368, %get3A_369, %get3A_370] {strides = array<i32>} : memref<2x800x32xf32, #tpu.memory_space<vmem>>, vector<16xf32>,
          %get3A_372 = arith.constant 1 : i32
          %get3A_373 = arith.index_cast %get3A_372 : i32 to index
          %get3A_374 = arith.index_cast %add3A_366 : i32 to index
          %get3A_375 = arith.constant 16 : index
          %get3A_376 = tpu.vector_load %arg8[%get3A_373, %get3A_374, %get3A_375] {strides = array<i32>} : memref<2x800x32xf32, #tpu.memory_space<vmem>>, vector<16xf32>,
          %add3A_377 = arith.constant 1 : i32
          %add3A_378 = arith.addi %add3A_366, %add3A_377 : i32
          %get3A_379 = arith.constant 1 : i32
          %get3A_380 = arith.index_cast %get3A_379 : i32 to index
          %get3A_381 = arith.index_cast %add3A_378 : i32 to index
          %get3A_382 = arith.constant 0 : index
          %get3A_383 = tpu.vector_load %arg8[%get3A_380, %get3A_381, %get3A_382] {strides = array<i32>} : memref<2x800x32xf32, #tpu.memory_space<vmem>>, vector<16xf32>,
          %add3A_384 = arith.constant 1 : i32
          %add3A_385 = arith.addi %add3A_366, %add3A_384 : i32
          %get3A_386 = arith.constant 1 : i32
          %get3A_387 = arith.index_cast %get3A_386 : i32 to index
          %get3A_388 = arith.index_cast %add3A_385 : i32 to index
          %get3A_389 = arith.constant 16 : index
          %get3A_390 = tpu.vector_load %arg8[%get3A_387, %get3A_388, %get3A_389] {strides = array<i32>} : memref<2x800x32xf32, #tpu.memory_space<vmem>>, vector<16xf32>,
          %add3A_391 = arith.addf %scan3A_360, %get3A_371 : vector<16xf32>
          %add3A_392 = arith.addf %scan3A_361, %get3A_376 : vector<16xf32>
          %add3A_393 = arith.addf %scan3A_362, %get3A_383 : vector<16xf32>
          %add3A_394 = arith.addf %scan3A_363, %get3A_390 : vector<16xf32>
          scf.yield %add3A_391, %add3A_392, %add3A_393, %add3A_394 : vector<16xf32>, vector<16xf32>, vector<16xf32>, vector<16xf32>
        }
        %scan3A_337 = arith.constant 25 : i32
        %add3A_338 = arith.addf %scan3A_336#0, %scan3A_336#2 : vector<16xf32>
        %add3A_339 = arith.addf %scan3A_336#1, %scan3A_336#3 : vector<16xf32>
        %max3A = arith.constant 1.000000e+00 : f32
        %max3A_340 = vector.broadcast %max3A : f32 to vector<16xf32>
        %max3A_341 = arith.maximumf %broadcast_in_dim3A_325, %max3A_340 : vector<16xf32>
        %div3A_342 = arith.constant 1.000000e+00 : f32
        %div3A_343 = vector.broadcast %div3A_342 : f32 to vector<16xf32>
        %div3A_344 = arith.divf %div3A_343, %max3A_341 : vector<16xf32>
        %mul3A_345 = arith.constant 16 : i32
        %mul3A_346 = arith.muli %add3A_184, %mul3A_345 : i32
        %add3A_347 = arith.addi %mul3A_346, %scan3A_277 : i32
        %mul3A_348 = arith.mulf %sub3A_327, %get3A_7 : vector<16xf32>
        %sub3A_349 = arith.subf %add3A_338, %mul3A_348 : vector<16xf32>
        %mul3A_350 = arith.mulf %sub3A_349, %div3A_344 : vector<16xf32>
        %swap3A = arith.index_cast %add3A_347 : i32 to index
        %swap3A_351 = arith.constant 0 : index
        %swap3A_352 = tpu.vector_load %arg9[%swap3A, %swap3A_351] {strides = array<i32>} : memref<512x32xf32, #tpu.memory_space<vmem>>, vector<16xf32>,
        tpu.vector_store %arg9[%swap3A, %swap3A_351], %mul3A_350 {strides = array<i32>} : memref<512x32xf32, #tpu.memory_space<vmem>>, vector<16xf32>,
        %mul3A_353 = arith.mulf %sub3A_327, %get3A_11 : vector<16xf32>
        %sub3A_354 = arith.subf %add3A_339, %mul3A_353 : vector<16xf32>
        %mul3A_355 = arith.mulf %sub3A_354, %div3A_344 : vector<16xf32>
        %swap3A_356 = arith.index_cast %add3A_347 : i32 to index
        %swap3A_357 = arith.constant 16 : index
        %swap3A_358 = tpu.vector_load %arg9[%swap3A_356, %swap3A_357] {strides = array<i32>} : memref<512x32xf32, #tpu.memory_space<vmem>>, vector<16xf32>,
        tpu.vector_store %arg9[%swap3A_356, %swap3A_357], %mul3A_355 {strides = array<i32>} : memref<512x32xf32, #tpu.memory_space<vmem>>, vector<16xf32>,
      }
      %scan3A_276 = arith.constant 16 : i32
    }
    %scan3A_85 = arith.constant 16 : i32
    %mul3A_86 = arith.constant 512 : i32
    %mul3A_87 = arith.muli %add3A, %mul3A_86 : i32
    "tpu.region"() ({
      %run_scoped3A = tpu.sem_alloc : memref<!tpu.dma_semaphore, #tpu.memory_space<semaphore_mem>>
      %dma_start3A_88 = arith.constant 0 : i32
      %dma_start3A_89 = tpu.memref_slice %arg5[%mul3A_87, %dma_start3A_88] : memref<16384x32xf32, #tpu.memory_space<hbm>> -> memref<512x32xf32, #tpu.memory_space<hbm>>
      %dma_start3A_90 = arith.constant 0 : i32
      %dma_start3A_91 = tpu.memref_slice %arg5[%mul3A_87, %dma_start3A_90] : memref<16384x32xf32, #tpu.memory_space<hbm>> -> memref<512x32xf32, #tpu.memory_space<hbm>>
      tpu.enqueue_dma source(%arg9 : memref<512x32xf32, #tpu.memory_space<vmem>>) target(%dma_start3A_91 : memref<512x32xf32, #tpu.memory_space<hbm>>) target_semaphore(%run_scoped3A : memref<!tpu.dma_semaphore, #tpu.memory_space<semaphore_mem>>)
      %dma_wait3A = arith.constant 0 : i32
      %dma_wait3A_92 = tpu.memref_slice %arg5[%mul3A_87, %dma_wait3A] : memref<16384x32xf32, #tpu.memory_space<hbm>> -> memref<512x32xf32, #tpu.memory_space<hbm>>
      %dma_wait3A_93 = arith.constant 0 : i32
      %dma_wait3A_94 = tpu.memref_slice %arg5[%mul3A_87, %dma_wait3A_93] : memref<16384x32xf32, #tpu.memory_space<hbm>> -> memref<512x32xf32, #tpu.memory_space<hbm>>
      tpu.wait_dma2 semaphore(%run_scoped3A : memref<!tpu.dma_semaphore, #tpu.memory_space<semaphore_mem>>) src(%arg9 : memref<512x32xf32, #tpu.memory_space<vmem>>) dst(%dma_wait3A_94 : memref<512x32xf32, #tpu.memory_space<hbm>>)
      tpu.yield
    }) : () -> ()
    return
  }
}

</mosaic_0001>

<sc_bundles>
// kernel: kernel.3.cloned.1.call-start
scs
__scs_entry_jumppad:
0x0: {  	(pc) =	sbr.rel $0x88, $3  }
0x1: {  	(tag) =	ssettag $0x0;
	lr =	simm.s32 $0x1  }
0x2: {  	[smem:$0x3F9F] =	sst lr;
	_ =	strace $0xD0000000  }
0x3: {  	_ = 	snop  }
0x4: {  	_ = 	snop  }
0x5: {  	_ = 	snop  }
0x6: {  	_ = 	snop  }
0x7: {  	_ = 	snop  }
__scs_overlays_trampoline_lowered:
0x8: {  	[smem:$0x3FAE] =	sst s0  }
0x9: {  	[smem:$0x3FAF] =	sst s1  }
0xa: {  	[smem:$0x3FB0] =	sst s2  }
0xb: {  	[smem:$0x3FB1] =	sst s3  }
0xc: {  	[smem:$0x3FB2] =	sst s4  }
0xd: {  	[smem:$0x3FB3] =	sst s5  }
0xe: {  	[smem:$0x3FB4] =	sst s6  }
0xf: {  	[smem:$0x3FB5] =	sst s7  }
0x10: {  	[smem:$0x3FB6] =	sst s8  }
0x11: {  	[smem:$0x3FB7] =	sst s9;
	s0 =	simm.s32 @!p0 $0x0  }
0x12: {  	s1 =	sld [smem:$0x3F9D];
	s0 =	simm.s32 @p0 $0x1  }
0x13: {  	[smem:$0x3FB8] =	sst s0;
	s0 =	simm.s32 @!p1 $0x0  }
0x14: {  	s2 =	sld [smem:$0x3F9C];
	s0 =	simm.s32 @p1 $0x1  }
0x15: {  	[smem:$0x3FB9] =	sst s0;
	s0 =	simm.s32 @!p2 $0x0  }
0x16: {  	s3 =	sld [smem:$0x3FDB];
	s0 =	simm.s32 @p2 $0x1  }
0x17: {  	s4 =	simm.s32 $0x1BF5;
	[smem:$0x3FBB] =	sst s0  }
0x18: {  	s0 =	sld [smem:$0x3F9E];
	_ =	swait.ge [sflag:s4], $0x0  }
0x19: {  	s7 =	sld [smem:$0x3F9F]  }
0x1a: {  	s8 =	sadd.s32 $0xFFFFE003, lr  }
0x1b: {  	s9 =	sadd.s32 $0xFFFFFEF7, lr;
	s5 =	simm.s32 $0xFFFFFFFF;
	p2 =	slt.u32 s8, $0xFFFFF086  }
0x1c: {  	p1 =	slt.u32 s9, $0xF7A;
	s5 =	simm.s32 @!p2 $0x0  }
0x1d: {  	s5 =	simm.s32 @p1 $0x1;
	p0 =	seq.s32 s7, s2  }
0x1e: {  	s7 =	smul.u32 @!p0 $0xF7A, s2;
	p2 =	seq.s32 @!p0 s5, $0x0  }
0x1f: {  	s9 =	smul.u32 $0xF7A, s1;
	s8 =	simm.s32 @!p0 $0x1BF5;
	p2 =	por !p2, p0  }
0x20: {  	[sflag:s8] =	ssyncset.s32 @!p0 $0xFFFFF086;
	s6 =	sadd.s32 @!p0 s3, s7;
	s7 =	simm.s32 @!p0 $0x108  }
0x21: {  	s3 =	sadd.s32 s3, s9;
	s6 =	sadd.s32 @!p0 $0x88, s6;
	s7 =	simm.s32 @p2 $0x1082  }
0x22: {  	[simem:s7], [sflag:s8] =	dma.local @!p0 [hbm:s6], $0xF7A  }
0x23: {  	s9 =	sor.u32 $0xD0000000, s2;
	s6 =	simm.s32 $0x108;
	_ =	swait.ge @!p0 [sflag:s8], $0x0  }
0x24: {  	s3 =	sadd.s32 $0x88, s3;
	s6 =	simm.s32 @!p1 $0x1082;
	[sflag:s4] =	ssyncset.s32 $0xFFFFF086  }
0x25: {  	[simem:s6], [sflag:s4] =	dma.local [hbm:s3], $0xF7A  }
0x26: {  	[smem:$0x3F9F] =	sst s1;
	(tag) =	ssettag s2;
	_ =	strace s9  }
0x27: {  	s1 =	sld [smem:$0x3FAF]  }
0x28: {  	s2 =	sld [smem:$0x3FB0]  }
0x29: {  	s4 =	sld [smem:$0x3FB2]  }
0x2a: {  	p0 =	seq.s32 s5, $0x0;
	s5 =	sld [smem:$0x3FB3]  }
0x2b: {  	s6 =	sld [smem:$0x3FB4]  }
0x2c: {  	s7 =	sld [smem:$0x3FB5]  }
0x2d: {  	s3 =	simm.s32 $0x108;
	s8 =	sld [smem:$0x3FB6]  }
0x2e: {  	s3 =	simm.s32 @!p0 $0x1082;
	s9 =	sld [smem:$0x3FB7]  }
0x2f: {  	lr =	sadd.s32 s0, s3;
	s0 =	sld [smem:$0x3FAE]  }
0x30: {  	s3 =	sld [smem:$0x3FB1]  }
0x31: {  	[smem:$0x3FBA] =	sst s10  }
0x32: {  	s10 =	sld [smem:$0x3FB8];
	_ =	sdelay $0x3  }
0x33: {  	p0 =	seq.s32 s10, $0x1;
	s10 =	sld [smem:$0x3FBA];
	_ =	sdelay $0x3  }
0x34: {  	[smem:$0x3FBA] =	sst s10  }
0x35: {  	s10 =	sld [smem:$0x3FB9];
	_ =	sdelay $0x3  }
0x36: {  	p1 =	seq.s32 s10, $0x1;
	s10 =	sld [smem:$0x3FBA];
	_ =	sdelay $0x3  }
0x37: {  	[smem:$0x3FBA] =	sst s10  }
0x38: {  	s10 =	sld [smem:$0x3FBB]  }
0x39: {  	_ = 	snop;
	(pc) =	sbr.ind lr, $3  }
0x3a: {  	_ = 	snop  }
0x3b: {  	_ = 	snop  }
0x3c: {  	p2 =	seq.s32 s10, $0x1;
	s10 =	sld [smem:$0x3FBA]  }
0x3d: {  	_ =	shalt  }
0x3e: {  	_ =	shalt  }
0x3f: {  	_ =	shalt  }
0x40: {  	_ =	shalt  }
0x41: {  	_ =	shalt  }
0x42: {  	_ =	shalt  }
0x43: {  	_ =	shalt  }
0x44: {  	_ =	shalt  }
0x45: {  	_ =	shalt  }
0x46: {  	_ =	shalt  }
0x47: {  	_ =	shalt  }
0x48: {  	_ =	shalt  }
0x49: {  	_ =	shalt  }
0x4a: {  	_ =	shalt  }
0x4b: {  	_ =	shalt  }
0x4c: {  	_ =	shalt  }
0x4d: {  	_ =	shalt  }
0x4e: {  	_ =	shalt  }
0x4f: {  	_ =	shalt  }
0x50: {  	_ =	shalt  }
0x51: {  	_ =	shalt  }
0x52: {  	_ =	shalt  }
0x53: {  	_ =	shalt  }
0x54: {  	_ =	shalt  }
0x55: {  	_ =	shalt  }
0x56: {  	_ =	shalt  }
0x57: {  	_ =	shalt  }
0x58: {  	_ =	shalt  }
0x59: {  	_ =	shalt  }
0x5a: {  	_ =	shalt  }
0x5b: {  	_ =	shalt  }
0x5c: {  	_ =	shalt  }
0x5d: {  	_ =	shalt  }
0x5e: {  	_ =	shalt  }
0x5f: {  	_ =	shalt  }
0x60: {  	_ =	shalt  }
0x61: {  	_ =	shalt  }
0x62: {  	_ =	shalt  }
0x63: {  	_ =	shalt  }
0x64: {  	_ =	shalt  }
0x65: {  	_ =	shalt  }
0x66: {  	_ =	shalt  }
0x67: {  	_ =	shalt  }
0x68: {  	_ =	shalt  }
0x69: {  	_ =	shalt  }
0x6a: {  	_ =	shalt  }
0x6b: {  	_ =	shalt  }
0x6c: {  	_ =	shalt  }
0x6d: {  	_ =	shalt  }
0x6e: {  	_ =	shalt  }
0x6f: {  	_ =	shalt  }
0x70: {  	_ =	shalt  }
0x71: {  	_ =	shalt  }
0x72: {  	_ =	shalt  }
0x73: {  	_ =	shalt  }
0x74: {  	_ =	shalt  }
0x75: {  	_ =	shalt  }
0x76: {  	_ =	shalt  }
0x77: {  	_ =	shalt  }
0x78: {  	_ =	shalt  }
0x79: {  	_ =	shalt  }
0x7a: {  	_ =	shalt  }
0x7b: {  	_ =	shalt  }
0x7c: {  	_ =	shalt  }
0x7d: {  	_ =	shalt  }
0x7e: {  	_ =	shalt  }
0x7f: {  	_ =	shalt  }
0x80: {  	_ =	shalt  }
0x81: {  	_ =	shalt  }
0x82: {  	_ =	shalt  }
0x83: {  	_ =	shalt  }
0x84: {  	_ =	shalt  }
0x85: {  	_ =	shalt  }
0x86: {  	_ =	shalt  }
0x87: {  	_ =	shalt  }
.Lfunc_end0:
.L_simem_size_0:
called_computation_lowered:
.L_overlay_start_0:
0x88: {  	s2 =	sld [smem:$0x3FD9]  }
0x89: {  	s3 =	sld [smem:$0x3FFE];
	_ =	sdelay $0x1  }
0x8a: {  	s1 =	srdreg.scid  }
0x8b: {  	s0 =	sand.u32 $0x1, s1  }
0x8c: {  	s17 =	sshll.u32 s0, $0xA;
	s2 =	sadd.s32 s3, s2  }
0x8d: {  	s2 =	sadd.s32 s2, s17  }
0x8e: {  	[smem:$0x3FC6] =	sst s2  }
0x8f: {  	_ = 	snop  }
0x90: {  	s2 =	sld [smem:$0x3FD0];
	(tm) =	ssettm $0x1  }
0x91: {  	s18 =	sld [smem:$0x3FFB];
	_ =	sdelay $0x3  }
0x92: {  	_ =	strace s18  }
0x93: {  	s3 =	sld [smem:$0x3FFC];
	_ =	sdelay $0x3  }
0x94: {  	_ =	strace s3  }
0x95: {  	s3 =	sld [smem:$0x3FFD];
	_ =	sdelay $0x3  }
0x96: {  	_ =	strace s3  }
0x97: {  	_ =	strace $0x8FFFFFFF  }
0x98: {  	s19 =	sld [smem:$0x3FDB];
	_ =	sdelay $0x1  }
0x99: {  	s4 =	simm.s32 $_scs_section_size  }
0x9a: {  	s5 =	simm.s32 $_size__tile_overlayer_lowered;
	s6 =	simm.s32 $_tile_overlayer_lowered  }
0x9b: {  	s22 =	simm.s32 $0x1BFF;
	s21 =	sshll.u32 s6, $0x1;
	s3 =	sadd.s32 s4, s19  }
0x9c: {  	s7 =	simm.s32 $0x0;
	s20 =	sshll.u32 s5, $0x1;
	s5 =	sadd.s32 s21, s3  }
0x9d: {  	[timem:s7], [sflag:s22] =	dma.local [hbm:s5], s20  }
0x9e: {  	_ =	swait.ge [sflag:s22], s20  }
0x9f: {  	s4 =	ssub.s32 $0x0, s20;
	[sflag:s22] =	ssyncset.done $0x0  }
0xa0: {  	[sflag:s22] =	ssyncadd.s32 s4;
	_ =	sdelay $0x1  }
0xa1: {  	s23 =	simm.s32 $0x1B8B  }
0xa2: {  	_ =	swait.ge [sflag:s23], $0x1  }
0xa3: {  	[sflag:s23] =	ssyncset.done $0x0  }
0xa4: {  	s25 =	simm.s32 $0x1B8E;
	s24 =	sld [smem:$0x3FFE];
	[sflag:s23] =	ssyncadd.s32 $0xFFFFFFFF  }
0xa5: {  	s26 =	simm.s32 $execute0_lowered;
	[smem:$0x3FD2] =	sst s25  }
0xa6: {  	s5 =	sshll.u32 s26, $0x1;
	_ =	strace $0x80000046;
	[dreg:$0x1] =	wrdreg $0xFFFFFFFF  }
0xa7: {  	s28 =	simm.s32 $_size_execute0_lowered;
	s3 =	sadd.s32 s3, s5;
	[dreg:$0x0] =	wrdreg $0x0  }
0xa8: {  	s5 =	sshll.u32 s28, $0x1;
	[dreg:$0x2] =	wrdreg s3  }
0xa9: {  	[dreg:$0x3] =	wrdreg s5  }
0xaa: {  	[dreg:$0x4] =	wrdreg $0xC0  }
0xab: {  	_ =	task [dreg:s7], $0x5FFFF  }
0xac: {  	[dreg:$0x1] =	wrdreg $0xFFFFFFFF  }
0xad: {  	[dreg:$0x0] =	wrdreg $0x60  }
0xae: {  	[dreg:$0x2] =	wrdreg s24  }
0xaf: {  	[dreg:$0x3] =	wrdreg s2  }
0xb0: {  	[dreg:$0x4] =	wrdreg $0x9  }
0xb1: {  	_ =	task.clear_ibuf [dreg:s7], $0x5FFFF;
	_ =	strace $0x90000046  }
0xb2: {  	s29 =	simm.s32 $0x9;
	_ =	strace $0x80000048  }
0xb3: {  	_ =	swait.ge [sflag:s29], $0x1  }
0xb4: {  	[sflag:s29] =	ssyncadd.s32 $0xFFFFFFFF  }
0xb5: {  	_ =	strace $0x90000048  }
0xb6: {  	_ =	sfence  }
0xb7: {  	s30 =	sld [smem:$0x0];
	_ =	sdelay $0x2  }
0xb8: {  	s31 =	sshll.u32 s1, $0xD;
	s1 =	sshrl.u32 s1, $0x2  }
0xb9: {  	s3 =	sand.u32 $0x4000, s31;
	s1 =	sadd.s32 s1, s30  }
0xba: {  	s0 =	sor.u32 s3, s0;
	s1 =	sshll.u32 s1, $0x11  }
0xbb: {  	s0 =	sor.u32 s1, s0  }
0xbc: {  	s0 =	sadd.s32 $0x8F2B, s0  }
0xbd: {  	[sflag:s0] =	ssyncadd.remote.s32 $0x1  }
0xbe: {  	_ =	sfence.sel $0xFFFF  }
0xbf: {  	[dreg:$0x0] =	wrdreg $0xFFFFFFFF;
	(pc) =	sbr.abs _section_cstart, $3  }
0xc0: {  	[dreg:$0x1] =	wrdreg $0xFFFFFFFF  }
0xc1: {  	_ =	task.clear_ibuf [dreg:s7], $0x2FFFF;
	_ =	strace $0x9FFFFFFF  }
0xc2: {  	(tm) =	ssettm $0x7FFFFFFF  }
0xc3: {  	_ =	shalt  }
tec
execute0_lowered:
.L_overlay_start_1:
0x0: {  	(tag) =	ssettag $0x1  }
0x1: {  	s0 =	rddreg [dreg:$0x0];
	s1 =	srdreg.scid  }
0x2: {  	s2 =	stileid.u32;
	s6 =	rddreg [dreg:$0x1];
	s11 =	simm.s32 $0x80  }
0x3: {  	s20 =	simm.s32 $0x280;
	s21 =	simm.s32 $0x13400;
	s22 =	simm.s32 $0x20  }
0x4: {  	s23 =	simm.s32 $0x300;
	s28 =	simm.s32 $0x16800;
	s29 =	simm.s32 $0x17800  }
0x5: {  	s30 =	simm.s32 $0x18800;
	s31 =	simm.s32 $0x19800;
	s9 =	simm.s32 $0x2  }
0x6: {  	s10 =	simm.s32 $0x1AC00;
	s1 =	sand.u32 $0x1, s1;
	s3 =	sshll.u32 s2, $0x1  }
0x7: {  	s12 =	simm.s32 $0x0;
	s2 =	simm.s32 $0x0;
	s7 =	sor.u32 s1, s3  }
0x8: {  	[smem:$0x7FF] =	sst s2;
	s1 =	ssub.s32 $0x2, s1;
	s3 =	smul.u32 $0xC80, s7  }
0x9: {  	_ =	strace $0x80000047;
	s24 =	sshll.u32 s7, $0xC;
	s5 =	sshrl.u32 s1, $0x1  }
0xa: {  	s26 =	sshll.u32 s7, $0xB;
	s8 =	sadd.s32 s24, s0;
	s25 =	ssub.s32 s1, s5  }
0xb: {  	s6 =	sadd.s32 s6, s26;
	s24 =	simm.s32 $0x14400;
	s26 =	simm.s32 $0x15800  }
0xc: {  	s1 =	simm.s32 $0x1A800;
	s4 =	sadd.s32 s3, s0;
	s3 =	sadd.s32 $0xFC2E00, s0  }
0xd: {  	s5 =	sadd.s32 $0xA00, s8;
	s7 =	smax.u32 s25, $0x1;
	s8 =	simm.s32 $0x3  }
0xe: {  	s25 =	simm.s32 $0x14800;
	s0 =	simm.s32 $0x1;
	s4 =	sadd.s32 $0x20A00, s4  }
.LBB2_1:
0xf: {  	[tilespmem:s2], [sflag:$0x3] =	stream.linear.gather [hbm4b:s4+s2], $0x6400, $0x38;
	[tilespmem:$0x1EC20] =	vst v63  }
0x10: {  	_ =	swait.ge [sflag:s8], $0x6400  }
0x11: {  	[sflag:s8] =	ssyncset.done $0x0  }
0x12: {  	s13 =	simm.s32 $0x6400;
	[sflag:s8] =	ssyncadd.s32 $0xFFFF9C00  }
0x13: {  	[tilespmem:s13], [sflag:$0x3] =	stream.linear.gather [hbm4b:s5+s2], $0x8000, $0x38;
	[tilespmem:$0x1EC20] =	vst v63  }
0x14: {  	_ =	swait.ge [sflag:s8], $0x8000  }
0x15: {  	[sflag:s8] =	ssyncset.done $0x0  }
0x16: {  	s18 =	simm.s32 $0x1EC00;
	[sflag:s8] =	ssyncadd.s32 $0xFFFF8000  }
0x17: {  	[tilespmem:s18], [sflag:$0x3] =	stream.linear.gather [hbm4b:s3+s2], $0x20, $0x38;
	[tilespmem:$0x1EC20] =	vst v63  }
0x18: {  	_ =	swait.ge [sflag:s8], $0x20  }
0x19: {  	[sflag:s8] =	ssyncset.done $0x0  }
0x1a: {  	[sflag:s8] =	ssyncadd.s32 $0xFFFFFFE0  }
0x1b: {  	s19 =	simm.s32 $0xE400;
	v0 =	vld [tilespmem:$0x1EC00]  }
0x1c: {  	v1 =	vld [tilespmem:$0x1EC10];
	[tilespmem:s19], [sflag:$0x1] =	stream.indirect.gather [hbm4b:s3+s11], $0x20, s2, s11, $0xb8  }
0x1d: {  	s14 =	simm.s32 $0xF400  }
0x1e: {  	[tilespmem:s14], [sflag:$0x1] =	stream.indirect.gather [hbm4b:s3+s11], $0x20, s11, s11, $0xb8;
	[tilespmem:$0x1EC20] =	vst v63  }
0x1f: {  	s15 =	simm.s32 $0x100;
	s14 =	simm.s32 $0x10400  }
0x20: {  	[tilespmem:s14], [sflag:$0x1] =	stream.indirect.gather [hbm4b:s3+s11], $0x20, s15, s11, $0xb8;
	[tilespmem:$0x1EC20] =	vst v63  }
0x21: {  	s16 =	simm.s32 $0x180;
	s17 =	simm.s32 $0x11400  }
0x22: {  	[tilespmem:s17], [sflag:$0x1] =	stream.indirect.gather [hbm4b:s3+s11], $0x20, s16, s11, $0xb8;
	[tilespmem:$0x1EC20] =	vst v63  }
0x23: {  	s18 =	simm.s32 $0x200;
	s19 =	simm.s32 $0x12400  }
0x24: {  	[tilespmem:s19], [sflag:$0x1] =	stream.indirect.gather [hbm4b:s3+s11], $0x20, s18, s11, $0xb8;
	[tilespmem:$0x1EC20] =	vst v63  }
0x25: {  	_ = 	snop  }
0x26: {  	[tilespmem:s21], [sflag:$0x1] =	stream.indirect.gather [hbm4b:s3+s11], $0x20, s20, s11, $0xb8;
	[tilespmem:$0x1EC20] =	vst v63  }
0x27: {  	s13 =	simm.s32 $0x0  }
0x28: {  	[tilespmem:s24], [sflag:$0x1] =	stream.indirect.gather [hbm4b:s3+s22], $0x20, s23, s22, $0xb8;
	[tilespmem:$0x1EC20] =	vst v63  }
.LBB2_2:
0x29: {  	s14 =	sshllo.u32 s13, $0x1  }
0x2a: {  	s15 =	smul.u32 $0xC80, s14;
	_ =	sdelay $0x1  }
0x2b: {  	s15 =	sshra.s32 s15, $0x2  }
0x2c: {  	[tilespmem:s25], [sflag:$0x2] =	stream.indirect.gather [hbm4b:s3+s11], $0x20, s15, s11, $0xb8;
	[tilespmem:$0x1EC20] =	vst v63  }
0x2d: {  	s16 =	sadd.s32 $0x80, s15  }
0x2e: {  	[tilespmem:s26], [sflag:$0x2] =	stream.indirect.gather [hbm4b:s3+s11], $0x20, s16, s11, $0xb8;
	[tilespmem:$0x1EC20] =	vst v63  }
0x2f: {  	s17 =	sadd.s32 $0x100, s15  }
0x30: {  	[tilespmem:s28], [sflag:$0x2] =	stream.indirect.gather [hbm4b:s3+s11], $0x20, s17, s11, $0xb8;
	[tilespmem:$0x1EC20] =	vst v63  }
0x31: {  	s18 =	sadd.s32 $0x180, s15  }
0x32: {  	[tilespmem:s29], [sflag:$0x2] =	stream.indirect.gather [hbm4b:s3+s11], $0x20, s18, s11, $0xb8;
	[tilespmem:$0x1EC20] =	vst v63  }
0x33: {  	s19 =	sadd.s32 $0x200, s15  }
0x34: {  	[tilespmem:s30], [sflag:$0x2] =	stream.indirect.gather [hbm4b:s3+s11], $0x20, s19, s11, $0xb8;
	[tilespmem:$0x1EC20] =	vst v63  }
0x35: {  	s17 =	sadd.s32 $0x280, s15  }
0x36: {  	[tilespmem:s31], [sflag:$0x2] =	stream.indirect.gather [hbm4b:s3+s11], $0x20, s17, s11, $0xb8;
	[tilespmem:$0x1EC20] =	vst v63  }
0x37: {  	s15 =	sadd.s32 $0x300, s15  }
0x38: {  	[tilespmem:s1], [sflag:$0x2] =	stream.indirect.gather [hbm4b:s3+s22], $0x20, s15, s22, $0xb8;
	[tilespmem:$0x1EC20] =	vst v63  }
0x39: {  	_ =	swait.ge [sflag:s0], $0x1000  }
0x3a: {  	[sflag:s0] =	ssyncset.done $0x0  }
0x3b: {  	[sflag:s0] =	ssyncadd.s32 $0xFFFFF000  }
0x3c: {  	_ =	swait.ge [sflag:s0], $0x1000  }
0x3d: {  	[sflag:s0] =	ssyncset.done $0x0  }
0x3e: {  	[sflag:s0] =	ssyncadd.s32 $0xFFFFF000  }
0x3f: {  	_ =	swait.ge [sflag:s0], $0x1000  }
0x40: {  	[sflag:s0] =	ssyncset.done $0x0  }
0x41: {  	[sflag:s0] =	ssyncadd.s32 $0xFFFFF000  }
0x42: {  	_ =	swait.ge [sflag:s0], $0x1000  }
0x43: {  	[sflag:s0] =	ssyncset.done $0x0  }
0x44: {  	[sflag:s0] =	ssyncadd.s32 $0xFFFFF000  }
0x45: {  	_ =	swait.ge [sflag:s0], $0x1000  }
0x46: {  	[sflag:s0] =	ssyncset.done $0x0  }
0x47: {  	[sflag:s0] =	ssyncadd.s32 $0xFFFFF000  }
0x48: {  	_ =	swait.ge [sflag:s0], $0x1000  }
0x49: {  	s19 =	sshll.u32 s13, $0xB;
	[sflag:s0] =	ssyncset.done $0x0  }
0x4a: {  	s18 =	sshll.u32 s13, $0xA;
	s16 =	sand.u32 $0x3FFFF800, s19;
	[sflag:s0] =	ssyncadd.s32 $0xFFFFF000  }
0x4b: {  	s15 =	sand.u32 $0x3FFFFC00, s18;
	_ =	swait.ge [sflag:s0], $0x400  }
0x4c: {  	s17 =	simm.s32 $0xE420;
	s18 =	sadd.s32 $0x1AC00, s15;
	[sflag:s0] =	ssyncset.done $0x0  }
0x4d: {  	s15 =	sadd.s32 $0x6400, s16;
	s16 =	simm.s32 $0x0;
	v2 =	vmov s18;
	[sflag:s0] =	ssyncadd.s32 $0xFFFFFC00  }
.LBB2_3:
0x4e: {  	s18 =	sshll.u32 s16, $0x6  }
0x4f: {  	s19 =	sand.u32 $0x380, s18  }
0x50: {  	s18 =	sand.u32 $0x40, s18;
	s19 =	sadd.s32 s19, s15  }
0x51: {  	v15 =	vmov s17;
	s18 =	sadd.s32 s18, s19  }
0x52: {  	v13 =	vld [tilespmem:s18+$0x0]  }
0x53: {  	v14 =	vld [tilespmem:s18+$0x10]  }
0x54: {  	v12 =	vld [tilespmem:s18+$0x20]  }
0x55: {  	s19 =	simm.s32 $0x0;
	v9 =	vld [tilespmem:s18+$0x30]  }
0x56: {  	v3 =	vld.idx.msk [tilespmem:v15+s19+$0x10 ss:$0x1], $0xffff  }
0x57: {  	v6 =	vld.idx.msk [tilespmem:v15+s19+$0xFFFFFFE0 ss:$0x1], $0xffff  }
0x58: {  	v4 =	vimm.f32 $0.0e+00;
	v5 =	vld.idx.msk [tilespmem:v15+s19+$0xFFFFFFF0 ss:$0x1], $0xffff  }
0x59: {  	v10 =	vimm.f32 $0.0e+00;
	v7 =	vimm.f32 $0.0e+00;
	v11 =	vimm.f32 $0.0e+00;
	s18 =	simm.s32 $0x100;
	v8 =	vld.idx.msk [tilespmem:v15+s19+$0x0 ss:$0x1], $0xffff  }
.LBB2_4:
0x5a: {  	p0 =	sne.s32 s18, $0x1800  }
.Ltmp0:
0x5b: {  	s19 =	sshra.s32 s18, $0x2;
	s18 =	sadd.s32 $0x100, s18;
	(pc) =	sbr.rel @p0 .LBB2_4-.Ltmp0, $4  }
0x5c: {  	v4 =	vadd.f32 v3, v4;
	v3 =	vld.idx.msk [tilespmem:v15+s19+$0x10 ss:$0x1], $0xffff  }
0x5d: {  	v10 =	vadd.f32 v6, v10;
	v6 =	vld.idx.msk [tilespmem:v15+s19+$0xFFFFFFE0 ss:$0x1], $0xffff  }
0x5e: {  	v7 =	vadd.f32 v5, v7;
	v5 =	vld.idx.msk [tilespmem:v15+s19+$0xFFFFFFF0 ss:$0x1], $0xffff  }
0x5f: {  	v11 =	vadd.f32 v8, v11;
	v8 =	vld.idx.msk [tilespmem:v15+s19+$0x0 ss:$0x1], $0xffff  }
0x60: {  	vm0 =	vlt.s32 v13, $0x1;
	vm1 =	vlt.s32 v14, $0x1  }
0x61: {  	vm14 =	vlt.s32 v12, $0x1;
	v13 =	vnsel vm0, $0x1, v13;
	v14 =	vnsel vm1, $0x1, v14  }
0x62: {  	vm15 =	vlt.s32 v9, $0x1;
	v12 =	vnsel vm14, $0x1, v12;
	v13 =	vadd.s32 v13, v14  }
0x63: {  	v9 =	vnsel vm15, $0x1, v9;
	v12 =	vadd.s32 v12, v13  }
0x64: {  	v9 =	vadd.s32 v9, v12  }
0x65: {  	v9 =	vcvt.s32.f32 v9;
	_ =	sdelay $0x1  }
0x66: {  	(xrf2) =	vadd.scan.msk.f32 $0xffff, v9;
	_ =	sdelay $0x9  }
0x67: {  	v9, _, _ =	vpop (xrf2)  }
0x68: {  	v9 =	vbroadcast v9, $0xF;
	_ =	sdelay $0x1  }
0x69: {  	v57 =	vmax.f32 v9, $1.000000000e+00  }
0x6a: {  	(erf) = vrcp.f32 v57;
	_ =	sdelay $0x2  }
0x6b: {  	v6 =	vadd.f32 v6, v10  }
0x6c: {  	v8 =	vadd.f32 v8, v11;
	v9 =	vsub.f32 $5.000000000e+01, v9  }
0x6d: {  	v3 =	vadd.f32 v3, v4;
	v58 =	vadd.f32 v5, v7  }
0x6e: {  	v59 =	vadd.f32 v8, v6;
	v60 =	vmul.f32 v9, v0  }
0x6f: {  	s18 =	sshll.u32 s16, $0x5;
	s16 =	sadd.s32 $0x1, s16;
	v3 =	vadd.f32 v3, v58;
	v61 =	vmul.f32 v9, v1  }
0x70: {  	p0 =	sne.s32 s16, $0x10;
	v5 =	vsub.f32 v59, v60  }
.Ltmp1:
0x71: {  	v3 =	vsub.f32 v3, v61;
	v62 =	vpop (erf);
	(pc) =	sbr.rel @p0 .LBB2_3-.Ltmp1, $4  }
0x72: {  	v63 =	vmul.f32 v5, v62  }
0x73: {  	s18 =	sand.u32 $0x3FFFFFE0, s18;
	v3 =	vmul.f32 v3, v62  }
0x74: {  	[tilespmem:v2+s18+$0x0 ss:$0x1] =	vst.idx.msk $0xffff, v63  }
0x75: {  	s17 =	sadd.s32 $0x640, s17;
	[tilespmem:v2+s18+$0x10 ss:$0x1] =	vst.idx.msk $0xffff, v3  }
0x76: {  	p0 =	seq.s32 s13, $0xF  }
0x77: {  	s15 =	smul.u32 @!p0 $0x1900, s13;
	_ =	sdelay $0x1  }
0x78: {  	s15 =	sshra.s32 @!p0 s15, $0x2  }
0x79: {  	s17 =	simm.s32 @!p0 $0x80;
	s18 =	simm.s32 @!p0 $0xE400;
	s16 =	sadd.s32 @!p0 $0x640, s15  }
0x7a: {  	[tilespmem:s18], [sflag:$0x1] =	stream.indirect.gather @!p0 [hbm4b:s3+s17], $0x20, s16, s17, $0xb8;
	[tilespmem:$0x1EC20] =	vst v63  }
0x7b: {  	s16 =	sadd.s32 @!p0 $0x6C0, s15;
	s18 =	simm.s32 @!p0 $0xF400  }
0x7c: {  	[tilespmem:s18], [sflag:$0x1] =	stream.indirect.gather @!p0 [hbm4b:s3+s17], $0x20, s16, s17, $0xb8;
	[tilespmem:$0x1EC20] =	vst v63  }
0x7d: {  	s16 =	sadd.s32 @!p0 $0x740, s15;
	s18 =	simm.s32 @!p0 $0x10400  }
0x7e: {  	[tilespmem:s18], [sflag:$0x1] =	stream.indirect.gather @!p0 [hbm4b:s3+s17], $0x20, s16, s17, $0xb8;
	[tilespmem:$0x1EC20] =	vst v63  }
0x7f: {  	s16 =	sadd.s32 @!p0 $0x7C0, s15;
	s18 =	simm.s32 @!p0 $0x11400  }
0x80: {  	[tilespmem:s18], [sflag:$0x1] =	stream.indirect.gather @!p0 [hbm4b:s3+s17], $0x20, s16, s17, $0xb8;
	[tilespmem:$0x1EC20] =	vst v63  }
0x81: {  	s16 =	sadd.s32 @!p0 $0x840, s15;
	s18 =	simm.s32 @!p0 $0x12400  }
0x82: {  	[tilespmem:s18], [sflag:$0x1] =	stream.indirect.gather @!p0 [hbm4b:s3+s17], $0x20, s16, s17, $0xb8;
	[tilespmem:$0x1EC20] =	vst v63  }
0x83: {  	s16 =	sadd.s32 @!p0 $0x8C0, s15;
	s18 =	simm.s32 @!p0 $0x13400  }
0x84: {  	[tilespmem:s18], [sflag:$0x1] =	stream.indirect.gather @!p0 [hbm4b:s3+s17], $0x20, s16, s17, $0xb8;
	[tilespmem:$0x1EC20] =	vst v63  }
0x85: {  	s15 =	sadd.s32 @!p0 $0x940, s15;
	s16 =	simm.s32 @!p0 $0x20;
	s17 =	simm.s32 @!p0 $0x14400  }
0x86: {  	[tilespmem:s17], [sflag:$0x1] =	stream.indirect.gather @!p0 [hbm4b:s3+s16], $0x20, s15, s16, $0xb8;
	[tilespmem:$0x1EC20] =	vst v63  }
0x87: {  	_ =	swait.ge [sflag:s9], $0x1000  }
0x88: {  	[sflag:s9] =	ssyncset.done $0x0  }
0x89: {  	[sflag:s9] =	ssyncadd.s32 $0xFFFFF000  }
0x8a: {  	_ =	swait.ge [sflag:s9], $0x1000  }
0x8b: {  	[sflag:s9] =	ssyncset.done $0x0  }
0x8c: {  	[sflag:s9] =	ssyncadd.s32 $0xFFFFF000  }
0x8d: {  	_ =	swait.ge [sflag:s9], $0x1000  }
0x8e: {  	[sflag:s9] =	ssyncset.done $0x0  }
0x8f: {  	[sflag:s9] =	ssyncadd.s32 $0xFFFFF000  }
0x90: {  	_ =	swait.ge [sflag:s9], $0x1000  }
0x91: {  	[sflag:s9] =	ssyncset.done $0x0  }
0x92: {  	[sflag:s9] =	ssyncadd.s32 $0xFFFFF000  }
0x93: {  	_ =	swait.ge [sflag:s9], $0x1000  }
0x94: {  	[sflag:s9] =	ssyncset.done $0x0  }
0x95: {  	[sflag:s9] =	ssyncadd.s32 $0xFFFFF000  }
0x96: {  	_ =	swait.ge [sflag:s9], $0x1000  }
0x97: {  	s18 =	sshll.u32 s14, $0xA;
	[sflag:s9] =	ssyncset.done $0x0  }
0x98: {  	s17 =	sshll.u32 s14, $0x9;
	s14 =	sand.u32 $0x3FFFFC00, s18;
	[sflag:s9] =	ssyncadd.s32 $0xFFFFF000  }
0x99: {  	s15 =	sand.u32 $0x3FFFFE00, s17;
	_ =	swait.ge [sflag:s9], $0x400  }
0x9a: {  	s16 =	simm.s32 $0xE400;
	s19 =	sadd.s32 $0x1AC00, s15;
	[sflag:s9] =	ssyncset.done $0x0  }
0x9b: {  	s14 =	sadd.s32 $0x6400, s14;
	s15 =	simm.s32 $0x0;
	v2 =	vmov s19;
	[sflag:s9] =	ssyncadd.s32 $0xFFFFFC00  }
.LBB2_7:
0x9c: {  	s17 =	sshll.u32 s15, $0x6  }
0x9d: {  	s18 =	sand.u32 $0x380, s17  }
0x9e: {  	s17 =	sand.u32 $0x40, s17;
	s18 =	sadd.s32 s18, s14  }
0x9f: {  	v15 =	vmov s16;
	s17 =	sadd.s32 s17, s18  }
0xa0: {  	v13 =	vld [tilespmem:s17+$0x0]  }
0xa1: {  	v14 =	vld [tilespmem:s17+$0x10]  }
0xa2: {  	v12 =	vld [tilespmem:s17+$0x20]  }
0xa3: {  	s19 =	simm.s32 $0x0;
	v9 =	vld [tilespmem:s17+$0x30]  }
0xa4: {  	v3 =	vld.idx.msk [tilespmem:v15+s19+$0x6430 ss:$0x1], $0xffff  }
0xa5: {  	v6 =	vld.idx.msk [tilespmem:v15+s19+$0x6400 ss:$0x1], $0xffff  }
0xa6: {  	v4 =	vimm.f32 $0.0e+00;
	v5 =	vld.idx.msk [tilespmem:v15+s19+$0x6410 ss:$0x1], $0xffff  }
0xa7: {  	v10 =	vimm.f32 $0.0e+00;
	v7 =	vimm.f32 $0.0e+00;
	v11 =	vimm.f32 $0.0e+00;
	s17 =	simm.s32 $0x100;
	v8 =	vld.idx.msk [tilespmem:v15+s19+$0x6420 ss:$0x1], $0xffff  }
.LBB2_8:
0xa8: {  	p0 =	sne.s32 s17, $0x1800  }
.Ltmp2:
0xa9: {  	s18 =	sshra.s32 s17, $0x2;
	s17 =	sadd.s32 $0x100, s17;
	(pc) =	sbr.rel @p0 .LBB2_8-.Ltmp2, $4  }
0xaa: {  	v4 =	vadd.f32 v3, v4;
	v3 =	vld.idx.msk [tilespmem:v15+s18+$0x6430 ss:$0x1], $0xffff  }
0xab: {  	v10 =	vadd.f32 v6, v10;
	v6 =	vld.idx.msk [tilespmem:v15+s18+$0x6400 ss:$0x1], $0xffff  }
0xac: {  	v7 =	vadd.f32 v5, v7;
	v5 =	vld.idx.msk [tilespmem:v15+s18+$0x6410 ss:$0x1], $0xffff  }
0xad: {  	v11 =	vadd.f32 v8, v11;
	v8 =	vld.idx.msk [tilespmem:v15+s18+$0x6420 ss:$0x1], $0xffff  }
0xae: {  	vm0 =	vlt.s32 v13, $0x1;
	vm1 =	vlt.s32 v14, $0x1  }
0xaf: {  	vm14 =	vlt.s32 v12, $0x1;
	v13 =	vnsel vm0, $0x1, v13;
	v14 =	vnsel vm1, $0x1, v14  }
0xb0: {  	vm15 =	vlt.s32 v9, $0x1;
	v12 =	vnsel vm14, $0x1, v12;
	v13 =	vadd.s32 v13, v14  }
0xb1: {  	v9 =	vnsel vm15, $0x1, v9;
	v12 =	vadd.s32 v12, v13  }
0xb2: {  	v9 =	vadd.s32 v9, v12  }
0xb3: {  	v9 =	vcvt.s32.f32 v9;
	_ =	sdelay $0x1  }
0xb4: {  	(xrf2) =	vadd.scan.msk.f32 $0xffff, v9;
	_ =	sdelay $0x9  }
0xb5: {  	v9, _, _ =	vpop (xrf2)  }
0xb6: {  	v9 =	vbroadcast v9, $0xF;
	_ =	sdelay $0x1  }
0xb7: {  	v57 =	vmax.f32 v9, $1.000000000e+00  }
0xb8: {  	(erf) = vrcp.f32 v57;
	_ =	sdelay $0x2  }
0xb9: {  	v6 =	vadd.f32 v6, v10  }
0xba: {  	v8 =	vadd.f32 v8, v11;
	v9 =	vsub.f32 $5.000000000e+01, v9  }
0xbb: {  	v3 =	vadd.f32 v3, v4;
	v58 =	vadd.f32 v5, v7  }
0xbc: {  	v59 =	vadd.f32 v8, v6;
	v60 =	vmul.f32 v9, v0  }
0xbd: {  	s17 =	sshll.u32 s15, $0x5;
	s15 =	sadd.s32 $0x1, s15;
	v3 =	vadd.f32 v3, v58;
	v61 =	vmul.f32 v9, v1  }
0xbe: {  	p0 =	sne.s32 s15, $0x10;
	v5 =	vsub.f32 v59, v60  }
.Ltmp3:
0xbf: {  	v3 =	vsub.f32 v3, v61;
	v62 =	vpop (erf);
	(pc) =	sbr.rel @p0 .LBB2_7-.Ltmp3, $4  }
0xc0: {  	v63 =	vmul.f32 v5, v62  }
0xc1: {  	s17 =	sand.u32 $0x3FFFFFE0, s17;
	v3 =	vmul.f32 v3, v62  }
0xc2: {  	[tilespmem:v2+s17+$0x0 ss:$0x1] =	vst.idx.msk $0xffff, v63  }
0xc3: {  	s16 =	sadd.s32 $0x640, s16;
	[tilespmem:v2+s17+$0x10 ss:$0x1] =	vst.idx.msk $0xffff, v3  }
0xc4: {  	s13 =	sadd.s32 $0x1, s13  }
0xc5: {  	p0 =	sne.s32 s13, $0x10  }
.Ltmp4:
0xc6: {  	_ = 	snop;
	(pc) =	sbr.rel @p0 .LBB2_2-.Ltmp4, $1  }
0xc7: {  	_ =	sdelay $0x3  }
0xc8: {  	s12 =	sadd.s32 $0x1, s12  }
0xc9: {  	p0 =	sne.s32 s12, s7  }
.Ltmp5:
0xca: {  	_ = 	snop;
	(pc) =	sbr.rel @p0 .LBB2_1-.Ltmp5, $4  }
0xcb: {  	[hbm4b:s6+s2] =	stream.linear.scatter [tilespmem:s10], [sflag:$0x3], $0x4000, $0x38;
	[tilespmem:$0x1EC20] =	vst v63  }
0xcc: {  	_ =	swait.ge [sflag:s8], $0x4000  }
0xcd: {  	[sflag:s8] =	ssyncset.done $0x0  }
0xce: {  	[sflag:s8] =	ssyncadd.s32 $0xFFFFC000  }
0xcf: {  	_ =	sfence.sel $0x180000  }
0xd0: {  	[bflag:$0x0] =	sbarrier.arrive $0xFFFF  }
0xd1: {  	_ =	strace $0x90000047  }
0xd2: {  	s0 =	stileid.u32;
	[bflag:$0x2] =	sbarrier.arrive $0xFFFF  }
0xd3: {  	p0 =	sne.s32 s0, $0x0;
	s0 =	rddreg [dreg:$0x2]  }
0xd4: {  	s0 =	sadd.s32 @!p0 $0x100000, s0  }
0xd5: {  	[sflag:s0] =	ssyncadd.tile.s32 @!p0 $0x1;
	_ =	shalt  }
.Lfunc_end2:
_tile_overlayer_lowered:
.L_overlay_start_2:
0xd6: {  	(tag) =	ssettag $0x2  }
0xd7: {  	s0 =	rddreg [dreg:$0x0];
	s2 =	stileid.u32  }
0xd8: {  	s1 =	rddreg [dreg:$0x1];
	p0 =	sne.s32 s2, $0x0  }
0xd9: {  	s3 =	rddreg [dreg:$0x2];
	[bflag:$0x3] =	sbarrier.arrive $0xFFFF;
	s2 =	simm.s32 @!p0 $0x1C03  }
0xda: {  	[timem:s3], [sflag:s2] =	dma.local @!p0 [hbm:s0], s1  }
0xdb: {  	s0 =	simm.s32 @!p0 $0x3  }
0xdc: {  	_ =	swait.ge @!p0 [sflag:s0], s1  }
0xdd: {  	s1 =	ssub.s32 @!p0 $0x0, s1;
	[sflag:s0] =	ssyncset.done @!p0 $0x0  }
0xde: {  	[sflag:s0] =	ssyncadd.s32 @!p0 s1  }
0xdf: {  	[bflag:$0x3] =	sbarrier.arrive $0xFFFF  }
0xe0: {  	_ =	shalt  }

</sc_bundles>
